<compile_context>
chip_gen: v7x
topology: tpu7x:2x2x1
jax: 0.10.2.dev20260603
libtpu: 0.0.44.dev20260713+nightly
codegen_flags: <defaults>
</compile_context>

<pallas_src>
import functools

import jax
import jax.numpy as jnp
from jax import lax
from jax.experimental import pallas as pl
from jax.experimental.pallas import tpu as pltpu
from jax.experimental.pallas import tpu_sc as plsc

N = 10000
E = 320000
H = 128
HEADS = 4
OUT = H // HEADS

NC = 2
NS = 16
NW = NC * NS
EP = E // NW
CH = 80
NCHUNK = EP // CH
IB = 25
NBLK = NCHUNK // IB
STRIPE = 624
TAIL = N - NS * STRIPE

AP = 16


def _tc_proj_body(x_ref, w_ref, ap_ref, h_ref, as_ref, ad_ref):
    h = jnp.dot(x_ref[...], w_ref[...], preferred_element_type=jnp.float32)
    h_ref[...] = h
    ap = ap_ref[...]
    as_ref[...] = jnp.dot(h, ap[:, :AP], preferred_element_type=jnp.float32)
    ad_ref[...] = jnp.dot(h, ap[:, AP:], preferred_element_type=jnp.float32)


def _tc_proj(x, w, ap):
    bs = 2000
    grid = (N // bs,)
    return pl.pallas_call(
        _tc_proj_body,
        grid=grid,
        in_specs=[
            pl.BlockSpec((bs, H), lambda i: (i, 0)),
            pl.BlockSpec((H, H), lambda i: (0, 0)),
            pl.BlockSpec((H, 2 * AP), lambda i: (0, 0)),
        ],
        out_specs=[
            pl.BlockSpec((bs, H), lambda i: (i, 0)),
            pl.BlockSpec((bs, AP), lambda i: (i, 0)),
            pl.BlockSpec((bs, AP), lambda i: (i, 0)),
        ],
        out_shape=[
            jax.ShapeDtypeStruct((N, H), jnp.float32),
            jax.ShapeDtypeStruct((N, AP), jnp.float32),
            jax.ShapeDtypeStruct((N, AP), jnp.float32),
        ],
    )(x, w, ap)


def _sc_body(h_hbm, as_hbm, ad_hbm, src2_hbm, dst2_hbm, z128_hbm, z16_hbm,
             out_hbm, s_hbm,
             acc_sh, sacc_sh,
             idxs2_v, idxd2_v,
             hrow_a, asv_a, adv_a, exv_a, hrow_b, asv_b, adv_b, exv_b,
             sa_a, sb_a, sh_a, sa_b, sb_b, sh_b, ss_a, ss_b):
    cid = lax.axis_index("c")
    sid = lax.axis_index("s")
    wid = cid * NS + sid

    r0 = sid * STRIPE
    pltpu.sync_copy(z128_hbm.at[pl.ds(r0, STRIPE)],
                    acc_sh.at[pl.ds(r0, STRIPE)])
    pltpu.sync_copy(z16_hbm.at[pl.ds(r0, STRIPE)],
                    sacc_sh.at[pl.ds(r0, STRIPE)])

    @pl.when(sid == 0)
    def _zero_tail():
        pltpu.sync_copy(z128_hbm.at[pl.ds(NS * STRIPE, TAIL)],
                        acc_sh.at[pl.ds(NS * STRIPE, TAIL)])
        pltpu.sync_copy(z16_hbm.at[pl.ds(NS * STRIPE, TAIL)],
                        sacc_sh.at[pl.ds(NS * STRIPE, TAIL)])

    plsc.subcore_barrier()

    def issue(j, asv, adv, hrow, sa, sb, sh):
        rs = idxs2_v.at[j]
        rd = idxd2_v.at[j]
        pltpu.async_copy(as_hbm.at[rs], asv, sa)
        pltpu.async_copy(ad_hbm.at[rd], adv, sb)
        pltpu.async_copy(h_hbm.at[rs], hrow, sh)

    def waitg(j, asv, adv, hrow, sa, sb, sh):
        rs = idxs2_v.at[j]
        rd = idxd2_v.at[j]
        pltpu.make_async_copy(as_hbm.at[rs], asv, sa).wait()
        pltpu.make_async_copy(ad_hbm.at[rd], adv, sb).wait()
        pltpu.make_async_copy(h_hbm.at[rs], hrow, sh).wait()

    def compute(j, asv, adv, hrow, exv):
        def ex_body(t, c):
            ev = asv[t] + adv[t]
            ev = jnp.maximum(ev, 0.2 * ev)
            exv[t] = jnp.exp(ev)
            return c

        lax.fori_loop(0, 1, ex_body, 0, unroll=1)

        def scale_body(k, c):
            exrow = exv[k]
            for hd in range(HEADS):
                spl = jnp.full((16,), exrow[hd], dtype=jnp.float32)
                for half in range(2):
                    col = hd * OUT + half * 16
                    hrow[k, pl.ds(col, 16)] = hrow[k, pl.ds(col, 16)] * spl
            return c

        lax.fori_loop(0, 1, scale_body, 0, unroll=1)

    def scat_issue(j, exv, hrow, ss):
        rd = idxd2_v.at[j]
        pltpu.async_copy(exv, sacc_sh.at[rd], ss, add=True)
        pltpu.async_copy(hrow, acc_sh.at[rd], ss, add=True)

    def scat_wait(j, exv, hrow, ss):
        rd = idxd2_v.at[j]
        pltpu.make_async_copy(exv, sacc_sh.at[rd], ss).wait()
        pltpu.make_async_copy(hrow, acc_sh.at[rd], ss).wait()

    bufa = (asv_a, adv_a, hrow_a, sa_a, sb_a, sh_a)
    bufb = (asv_b, adv_b, hrow_b, sa_b, sb_b, sh_b)

    def block_body(b, carry):
        row0 = wid * NCHUNK + b * IB
        pltpu.sync_copy(src2_hbm.at[pl.ds(row0, IB)], idxs2_v)
        pltpu.sync_copy(dst2_hbm.at[pl.ds(row0, IB)], idxd2_v)
        issue(0, *bufa)
        issue(1, *bufb)

        def pair_body(i, c):
            j0 = 2 * i
            waitg(j0, *bufa)
            compute(j0, asv_a, adv_a, hrow_a, exv_a)
            scat_issue(j0, exv_a, hrow_a, ss_a)
            waitg(j0 + 1, *bufb)
            compute(j0 + 1, asv_b, adv_b, hrow_b, exv_b)
            scat_issue(j0 + 1, exv_b, hrow_b, ss_b)
            scat_wait(j0, exv_a, hrow_a, ss_a)
            issue(j0 + 2, *bufa)
            scat_wait(j0 + 1, exv_b, hrow_b, ss_b)

            @pl.when(j0 + 3 < IB)
            def _issue_b():
                issue(j0 + 3, *bufb)

            return c

        lax.fori_loop(0, (IB - 1) // 2, pair_body, 0)
        waitg(IB - 1, *bufa)
        compute(IB - 1, asv_a, adv_a, hrow_a, exv_a)
        scat_issue(IB - 1, exv_a, hrow_a, ss_a)
        scat_wait(IB - 1, exv_a, hrow_a, ss_a)
        return carry

    lax.fori_loop(0, NBLK, block_body, 0)
    plsc.subcore_barrier()

    pltpu.sync_copy(acc_sh.at[pl.ds(r0, STRIPE)],
                    out_hbm.at[cid, pl.ds(r0, STRIPE)])
    pltpu.sync_copy(sacc_sh.at[pl.ds(r0, STRIPE)],
                    s_hbm.at[cid, pl.ds(r0, STRIPE)])

    @pl.when(sid == 0)
    def _out_tail():
        pltpu.sync_copy(acc_sh.at[pl.ds(NS * STRIPE, TAIL)],
                        out_hbm.at[cid, pl.ds(NS * STRIPE, TAIL)])
        pltpu.sync_copy(sacc_sh.at[pl.ds(NS * STRIPE, TAIL)],
                        s_hbm.at[cid, pl.ds(NS * STRIPE, TAIL)])


def _sc_aggregate(h, a_s, a_d, src, dst, z128, z16):
    mesh = plsc.VectorSubcoreMesh(core_axis_name="c", subcore_axis_name="s",
                                  num_cores=NC, num_subcores=NS)
    f = pl.kernel(
        _sc_body,
        out_type=(jax.ShapeDtypeStruct((NC, N, H), jnp.float32),
                  jax.ShapeDtypeStruct((NC, N, AP), jnp.float32)),
        mesh=mesh,
        scratch_types=[
            pltpu.VMEM_SHARED((N, H), jnp.float32),
            pltpu.VMEM_SHARED((N, AP), jnp.float32),
            pltpu.VMEM((IB, CH), jnp.int32),
            pltpu.VMEM((IB, CH), jnp.int32),
            pltpu.VMEM((CH, H), jnp.float32),
            pltpu.VMEM((CH, AP), jnp.float32),
            pltpu.VMEM((CH, AP), jnp.float32),
            pltpu.VMEM((CH, AP), jnp.float32),
            pltpu.VMEM((CH, H), jnp.float32),
            pltpu.VMEM((CH, AP), jnp.float32),
            pltpu.VMEM((CH, AP), jnp.float32),
            pltpu.VMEM((CH, AP), jnp.float32),
            pltpu.SemaphoreType.DMA,
            pltpu.SemaphoreType.DMA,
            pltpu.SemaphoreType.DMA,
            pltpu.SemaphoreType.DMA,
            pltpu.SemaphoreType.DMA,
            pltpu.SemaphoreType.DMA,
            pltpu.SemaphoreType.DMA,
            pltpu.SemaphoreType.DMA,
        ],
        compiler_params=pltpu.CompilerParams(use_tc_tiling_on_sc=False),
    )
    return f(h, a_s, a_d, src, dst, z128, z16)


def _tc_final_body(p_ref, s_ref, x_ref, b_ref, g_ref, be_ref, m_ref, y_ref):
    acc = p_ref[0] + p_ref[1]
    s = s_ref[0] + s_ref[1]
    rs = 1.0 / (s + 1e-16)
    rse = jnp.dot(rs, m_ref[...], preferred_element_type=jnp.float32)
    out = jnp.maximum(acc * rse + b_ref[...], 0.0)
    y = out + x_ref[...]
    mu = jnp.mean(y, axis=-1, keepdims=True)
    var = jnp.mean((y - mu) * (y - mu), axis=-1, keepdims=True)
    y_ref[...] = (y - mu) * lax.rsqrt(var + 1e-5) * g_ref[...] + be_ref[...]


def _tc_final(p, s, x, b, g, be, m):
    bs = 2000
    grid = (N // bs,)
    return pl.pallas_call(
        _tc_final_body,
        grid=grid,
        in_specs=[
            pl.BlockSpec((NC, bs, H), lambda i: (0, i, 0)),
            pl.BlockSpec((NC, bs, AP), lambda i: (0, i, 0)),
            pl.BlockSpec((bs, H), lambda i: (i, 0)),
            pl.BlockSpec((1, H), lambda i: (0, 0)),
            pl.BlockSpec((1, H), lambda i: (0, 0)),
            pl.BlockSpec((1, H), lambda i: (0, 0)),
            pl.BlockSpec((AP, H), lambda i: (0, 0)),
        ],
        out_specs=pl.BlockSpec((bs, H), lambda i: (i, 0)),
        out_shape=jax.ShapeDtypeStruct((N, H), jnp.float32),
    )(p, s, x, b, g, be, m)


def kernel(x, edge_index, W, att_src, att_dst, bias, gamma, beta):
    eye = jnp.eye(HEADS, dtype=jnp.float32)
    As = (att_src[:, :, None] * eye[:, None, :]).reshape(H, HEADS)
    Ad = (att_dst[:, :, None] * eye[:, None, :]).reshape(H, HEADS)
    apad = jnp.zeros((H, 2 * AP), jnp.float32)
    apad = apad.at[:, :HEADS].set(As).at[:, AP:AP + HEADS].set(Ad)

    col_head = jnp.arange(H, dtype=jnp.int32) // OUT
    m = (jnp.arange(AP, dtype=jnp.int32)[:, None] == col_head[None, :]
         ).astype(jnp.float32)

    src = edge_index[0].reshape(E // CH, CH)
    dst = edge_index[1].reshape(E // CH, CH)
    z128 = jnp.zeros((N, H), jnp.float32)
    z16 = jnp.zeros((N, AP), jnp.float32)

    h, a_s, a_d = _tc_proj(x, W, apad)
    p, s = _sc_aggregate(h, a_s, a_d, src, dst, z128, z16)
    return _tc_final(p, s, x, bias.reshape(1, H), gamma.reshape(1, H),
                     beta.reshape(1, H), m)

# --- scband reference (transcript-rebuilt; emitter-appended) ---
"""Pipeline reference for scband-residual-layer-62328565399967 (READ-ONLY COPY).

The authoritative reference and input builder live on the scoring server;
editing this copy changes nothing except your own understanding.
"""

import jax, jax.numpy as jnp
import numpy as np

N = 10000
E = 320000
H = 128
HEADS = 4
OUT = H // HEADS


def setup_inputs(seed: int = 0) -> dict:
    key = jax.random.key(seed)
    ks = jax.random.split(key, 8)
    x = jax.random.normal(ks[0], (N, H), dtype=jnp.float32)
    edge_index = jax.random.randint(ks[1], (2, E), 0, N, dtype=jnp.int32)
    W = jax.random.normal(ks[2], (H, HEADS * OUT), dtype=jnp.float32) * (1.0 / np.sqrt(H))
    att_src = jax.random.normal(ks[3], (HEADS, OUT), dtype=jnp.float32) * 0.1
    att_dst = jax.random.normal(ks[4], (HEADS, OUT), dtype=jnp.float32) * 0.1
    bias = jnp.zeros((HEADS * OUT,), dtype=jnp.float32)
    gamma = jnp.ones((H,), dtype=jnp.float32)
    beta = jnp.zeros((H,), dtype=jnp.float32)
    return {"x": x, "edge_index": edge_index, "W": W, "att_src": att_src,
            "att_dst": att_dst, "bias": bias, "gamma": gamma, "beta": beta}


def reference(x, edge_index, W, att_src, att_dst, bias, gamma, beta):
    src = edge_index[0]
    dst = edge_index[1]
    # GATConv: linear projection into heads
    h = (x @ W).reshape(N, HEADS, OUT)
    # per-node attention logits
    a_s = jnp.sum(h * att_src[None, :, :], axis=-1)  # [N, HEADS]
    a_d = jnp.sum(h * att_dst[None, :, :], axis=-1)  # [N, HEADS]
    # per-edge logits (message from src j to dst i)
    e = a_s[src] + a_d[dst]                          # [E, HEADS]
    e = jax.nn.leaky_relu(e, negative_slope=0.2)
    # segment softmax over edges grouped by dst node
    m = jax.ops.segment_max(e, dst, num_segments=N)
    m = jnp.where(jnp.isfinite(m), m, 0.0)
    ex = jnp.exp(e - m[dst])
    s = jax.ops.segment_sum(ex, dst, num_segments=N)
    alpha = ex / (s[dst] + 1e-16)                    # [E, HEADS]
    # weighted message aggregation (scatter-add by dst)
    msg = h[src] * alpha[:, :, None]                 # [E, HEADS, OUT]
    out = jax.ops.segment_sum(msg, dst, num_segments=N)
    out = out.reshape(N, HEADS * OUT) + bias
    # activation + dropout(eval: identity) + residual + layernorm
    out = jax.nn.relu(out)
    y = out + x
    mu = jnp.mean(y, axis=-1, keepdims=True)
    var = jnp.var(y, axis=-1, keepdims=True)
    yn = (y - mu) / jnp.sqrt(var + 1e-5)
    return yn * gamma + beta

if __name__ == "__main__":
    import jax
    _d = setup_inputs()
    print(jax.jit(kernel)(*tuple(_d.values())))

</pallas_src>

<mosaic_0001>
#map = affine_map<(d0, d1) -> (0, 0)>
#map1 = affine_map<(d0, d1) -> (0, 0, 0)>
module attributes {stable_mosaic.version = 14 : i64} {
  func.func @_sc_body(%arg0: i32, %arg1: i32, %arg2: memref<10000x128xf32, #tpu.memory_space<hbm>>, %arg3: memref<10000x16xf32, #tpu.memory_space<hbm>>, %arg4: memref<10000x16xf32, #tpu.memory_space<hbm>>, %arg5: memref<4000x80xi32, #tpu.memory_space<hbm>>, %arg6: memref<4000x80xi32, #tpu.memory_space<hbm>>, %arg7: memref<10000x128xf32, #tpu.memory_space<hbm>>, %arg8: memref<10000x16xf32, #tpu.memory_space<hbm>>, %arg9: memref<2x10000x128xf32, #tpu.memory_space<hbm>>, %arg10: memref<2x10000x16xf32, #tpu.memory_space<hbm>>, %arg11: memref<10000x128xf32, #tpu.memory_space<vmem_shared>>, %arg12: memref<10000x16xf32, #tpu.memory_space<vmem_shared>>, %arg13: memref<25x80xi32, #tpu.memory_space<vmem>>, %arg14: memref<25x80xi32, #tpu.memory_space<vmem>>, %arg15: memref<80x128xf32, #tpu.memory_space<vmem>>, %arg16: memref<80x16xf32, #tpu.memory_space<vmem>>, %arg17: memref<80x16xf32, #tpu.memory_space<vmem>>, %arg18: memref<80x16xf32, #tpu.memory_space<vmem>>, %arg19: memref<80x128xf32, #tpu.memory_space<vmem>>, %arg20: memref<80x16xf32, #tpu.memory_space<vmem>>, %arg21: memref<80x16xf32, #tpu.memory_space<vmem>>, %arg22: memref<80x16xf32, #tpu.memory_space<vmem>>, %arg23: memref<!tpu.dma_semaphore, #tpu.memory_space<semaphore_mem>>, %arg24: memref<!tpu.dma_semaphore, #tpu.memory_space<semaphore_mem>>, %arg25: memref<!tpu.dma_semaphore, #tpu.memory_space<semaphore_mem>>, %arg26: memref<!tpu.dma_semaphore, #tpu.memory_space<semaphore_mem>>, %arg27: memref<!tpu.dma_semaphore, #tpu.memory_space<semaphore_mem>>, %arg28: memref<!tpu.dma_semaphore, #tpu.memory_space<semaphore_mem>>, %arg29: memref<!tpu.dma_semaphore, #tpu.memory_space<semaphore_mem>>, %arg30: memref<!tpu.dma_semaphore, #tpu.memory_space<semaphore_mem>>) attributes {dimension_semantics = [#tpu.dimension_semantics<core_parallel>, #tpu.dimension_semantics<subcore_parallel>], iteration_bounds = array<i64: 2, 16>, scalar_prefetch = 0 : i64, scratch_operands = 20 : i64, tpu.core_type = #tpu.core_type<sc_vector_subcore>, window_params = [{transform_indices = #map}, {transform_indices = #map}, {transform_indices = #map}, {transform_indices = #map}, {transform_indices = #map}, {transform_indices = #map}, {transform_indices = #map}, {transform_indices = #map1}, {transform_indices = #map1}]} {
    %mul3A = arith.constant 16 : i32
    %mul3A_0 = arith.muli %arg0, %mul3A : i32
    %add3A = arith.addi %mul3A_0, %arg1 : i32
    %mul3A_1 = arith.constant 624 : i32
    %mul3A_2 = arith.muli %arg1, %mul3A_1 : i32
    "tpu.region"() ({
      %run_scoped3A = tpu.sem_alloc : memref<!tpu.dma_semaphore, #tpu.memory_space<semaphore_mem>>
      %dma_start3A = arith.constant 0 : i32
      %dma_start3A_16 = tpu.memref_slice %arg11[%mul3A_2, %dma_start3A] : memref<10000x128xf32, #tpu.memory_space<vmem_shared>> -> memref<624x128xf32, #tpu.memory_space<vmem_shared>>
      %dma_start3A_17 = arith.constant 0 : i32
      %dma_start3A_18 = tpu.memref_slice %arg7[%mul3A_2, %dma_start3A_17] : memref<10000x128xf32, #tpu.memory_space<hbm>> -> memref<624x128xf32, #tpu.memory_space<hbm>>
      tpu.enqueue_dma source(%dma_start3A_18 : memref<624x128xf32, #tpu.memory_space<hbm>>) target(%dma_start3A_16 : memref<624x128xf32, #tpu.memory_space<vmem_shared>>) target_semaphore(%run_scoped3A : memref<!tpu.dma_semaphore, #tpu.memory_space<semaphore_mem>>)
      %dma_wait3A = arith.constant 0 : i32
      %dma_wait3A_19 = tpu.memref_slice %arg11[%mul3A_2, %dma_wait3A] : memref<10000x128xf32, #tpu.memory_space<vmem_shared>> -> memref<624x128xf32, #tpu.memory_space<vmem_shared>>
      %dma_wait3A_20 = arith.constant 0 : i32
      %dma_wait3A_21 = tpu.memref_slice %arg7[%mul3A_2, %dma_wait3A_20] : memref<10000x128xf32, #tpu.memory_space<hbm>> -> memref<624x128xf32, #tpu.memory_space<hbm>>
      tpu.wait_dma2 semaphore(%run_scoped3A : memref<!tpu.dma_semaphore, #tpu.memory_space<semaphore_mem>>) src(%dma_wait3A_21 : memref<624x128xf32, #tpu.memory_space<hbm>>) dst(%dma_wait3A_19 : memref<624x128xf32, #tpu.memory_space<vmem_shared>>)
      tpu.yield
    }) : () -> ()
    "tpu.region"() ({
      %run_scoped3A = tpu.sem_alloc : memref<!tpu.dma_semaphore, #tpu.memory_space<semaphore_mem>>
      %dma_start3A = arith.constant 0 : i32
      %dma_start3A_16 = tpu.memref_slice %arg12[%mul3A_2, %dma_start3A] : memref<10000x16xf32, #tpu.memory_space<vmem_shared>> -> memref<624x16xf32, #tpu.memory_space<vmem_shared>>
      %dma_start3A_17 = arith.constant 0 : i32
      %dma_start3A_18 = tpu.memref_slice %arg8[%mul3A_2, %dma_start3A_17] : memref<10000x16xf32, #tpu.memory_space<hbm>> -> memref<624x16xf32, #tpu.memory_space<hbm>>
      tpu.enqueue_dma source(%dma_start3A_18 : memref<624x16xf32, #tpu.memory_space<hbm>>) target(%dma_start3A_16 : memref<624x16xf32, #tpu.memory_space<vmem_shared>>) target_semaphore(%run_scoped3A : memref<!tpu.dma_semaphore, #tpu.memory_space<semaphore_mem>>)
      %dma_wait3A = arith.constant 0 : i32
      %dma_wait3A_19 = tpu.memref_slice %arg12[%mul3A_2, %dma_wait3A] : memref<10000x16xf32, #tpu.memory_space<vmem_shared>> -> memref<624x16xf32, #tpu.memory_space<vmem_shared>>
      %dma_wait3A_20 = arith.constant 0 : i32
      %dma_wait3A_21 = tpu.memref_slice %arg8[%mul3A_2, %dma_wait3A_20] : memref<10000x16xf32, #tpu.memory_space<hbm>> -> memref<624x16xf32, #tpu.memory_space<hbm>>
      tpu.wait_dma2 semaphore(%run_scoped3A : memref<!tpu.dma_semaphore, #tpu.memory_space<semaphore_mem>>) src(%dma_wait3A_21 : memref<624x16xf32, #tpu.memory_space<hbm>>) dst(%dma_wait3A_19 : memref<624x16xf32, #tpu.memory_space<vmem_shared>>)
      tpu.yield
    }) : () -> ()
    %eq3A = arith.constant 0 : i32
    %eq3A_3 = arith.cmpi eq, %arg1, %eq3A : i32
    %convert_element_type3A = arith.extui %eq3A_3 : i1 to i32
    %cond3A = arith.constant 0 : i32
    %cond3A_4 = arith.cmpi ne, %convert_element_type3A, %cond3A : i32
    scf.if %cond3A_4 {
      "tpu.region"() ({
        %run_scoped3A = tpu.sem_alloc : memref<!tpu.dma_semaphore, #tpu.memory_space<semaphore_mem>>
        %dma_start3A = arith.constant 9984 : i32
        %dma_start3A_16 = arith.constant 0 : i32
        %dma_start3A_17 = tpu.memref_slice %arg11[%dma_start3A, %dma_start3A_16] : memref<10000x128xf32, #tpu.memory_space<vmem_shared>> -> memref<16x128xf32, #tpu.memory_space<vmem_shared>>
        %dma_start3A_18 = arith.constant 9984 : i32
        %dma_start3A_19 = arith.constant 0 : i32
        %dma_start3A_20 = tpu.memref_slice %arg7[%dma_start3A_18, %dma_start3A_19] : memref<10000x128xf32, #tpu.memory_space<hbm>> -> memref<16x128xf32, #tpu.memory_space<hbm>>
        tpu.enqueue_dma source(%dma_start3A_20 : memref<16x128xf32, #tpu.memory_space<hbm>>) target(%dma_start3A_17 : memref<16x128xf32, #tpu.memory_space<vmem_shared>>) target_semaphore(%run_scoped3A : memref<!tpu.dma_semaphore, #tpu.memory_space<semaphore_mem>>)
        %dma_wait3A = arith.constant 9984 : i32
        %dma_wait3A_21 = arith.constant 0 : i32
        %dma_wait3A_22 = tpu.memref_slice %arg11[%dma_wait3A, %dma_wait3A_21] : memref<10000x128xf32, #tpu.memory_space<vmem_shared>> -> memref<16x128xf32, #tpu.memory_space<vmem_shared>>
        %dma_wait3A_23 = arith.constant 9984 : i32
        %dma_wait3A_24 = arith.constant 0 : i32
        %dma_wait3A_25 = tpu.memref_slice %arg7[%dma_wait3A_23, %dma_wait3A_24] : memref<10000x128xf32, #tpu.memory_space<hbm>> -> memref<16x128xf32, #tpu.memory_space<hbm>>
        tpu.wait_dma2 semaphore(%run_scoped3A : memref<!tpu.dma_semaphore, #tpu.memory_space<semaphore_mem>>) src(%dma_wait3A_25 : memref<16x128xf32, #tpu.memory_space<hbm>>) dst(%dma_wait3A_22 : memref<16x128xf32, #tpu.memory_space<vmem_shared>>)
        tpu.yield
      }) : () -> ()
      "tpu.region"() ({
        %run_scoped3A = tpu.sem_alloc : memref<!tpu.dma_semaphore, #tpu.memory_space<semaphore_mem>>
        %dma_start3A = arith.constant 9984 : i32
        %dma_start3A_16 = arith.constant 0 : i32
        %dma_start3A_17 = tpu.memref_slice %arg12[%dma_start3A, %dma_start3A_16] : memref<10000x16xf32, #tpu.memory_space<vmem_shared>> -> memref<16x16xf32, #tpu.memory_space<vmem_shared>>
        %dma_start3A_18 = arith.constant 9984 : i32
        %dma_start3A_19 = arith.constant 0 : i32
        %dma_start3A_20 = tpu.memref_slice %arg8[%dma_start3A_18, %dma_start3A_19] : memref<10000x16xf32, #tpu.memory_space<hbm>> -> memref<16x16xf32, #tpu.memory_space<hbm>>
        tpu.enqueue_dma source(%dma_start3A_20 : memref<16x16xf32, #tpu.memory_space<hbm>>) target(%dma_start3A_17 : memref<16x16xf32, #tpu.memory_space<vmem_shared>>) target_semaphore(%run_scoped3A : memref<!tpu.dma_semaphore, #tpu.memory_space<semaphore_mem>>)
        %dma_wait3A = arith.constant 9984 : i32
        %dma_wait3A_21 = arith.constant 0 : i32
        %dma_wait3A_22 = tpu.memref_slice %arg12[%dma_wait3A, %dma_wait3A_21] : memref<10000x16xf32, #tpu.memory_space<vmem_shared>> -> memref<16x16xf32, #tpu.memory_space<vmem_shared>>
        %dma_wait3A_23 = arith.constant 9984 : i32
        %dma_wait3A_24 = arith.constant 0 : i32
        %dma_wait3A_25 = tpu.memref_slice %arg8[%dma_wait3A_23, %dma_wait3A_24] : memref<10000x16xf32, #tpu.memory_space<hbm>> -> memref<16x16xf32, #tpu.memory_space<hbm>>
        tpu.wait_dma2 semaphore(%run_scoped3A : memref<!tpu.dma_semaphore, #tpu.memory_space<semaphore_mem>>) src(%dma_wait3A_25 : memref<16x16xf32, #tpu.memory_space<hbm>>) dst(%dma_wait3A_22 : memref<16x16xf32, #tpu.memory_space<vmem_shared>>)
        tpu.yield
      }) : () -> ()
    } else {
    }
    %barrier3A = arith.constant 0 : index
    tpu.barrier barrier_id(%barrier3A)
    %scan3A = arith.constant 0 : i32
    %scan3A_5 = arith.constant 0 : i32
    %scan3A_6 = arith.constant 5 : i32
    %scan3A_7 = arith.addi %scan3A_5, %scan3A_6 : i32
    %scan3A_8 = arith.constant 1 : i32
    scf.for %scan3A_16 = %scan3A_5 to %scan3A_7 step %scan3A_8  : i32 {
      %mul3A_17 = arith.constant 125 : i32
      %mul3A_18 = arith.muli %add3A, %mul3A_17 : i32
      %mul3A_19 = arith.constant 25 : i32
      %mul3A_20 = arith.muli %scan3A_16, %mul3A_19 : i32
      %add3A_21 = arith.addi %mul3A_18, %mul3A_20 : i32
      "tpu.region"() ({
        %run_scoped3A = tpu.sem_alloc : memref<!tpu.dma_semaphore, #tpu.memory_space<semaphore_mem>>
        %dma_start3A_231 = arith.constant 0 : i32
        %dma_start3A_232 = tpu.memref_slice %arg5[%add3A_21, %dma_start3A_231] : memref<4000x80xi32, #tpu.memory_space<hbm>> -> memref<25x80xi32, #tpu.memory_space<hbm>>
        %dma_start3A_233 = arith.constant 0 : i32
        %dma_start3A_234 = tpu.memref_slice %arg5[%add3A_21, %dma_start3A_233] : memref<4000x80xi32, #tpu.memory_space<hbm>> -> memref<25x80xi32, #tpu.memory_space<hbm>>
        tpu.enqueue_dma source(%dma_start3A_234 : memref<25x80xi32, #tpu.memory_space<hbm>>) target(%arg13 : memref<25x80xi32, #tpu.memory_space<vmem>>) target_semaphore(%run_scoped3A : memref<!tpu.dma_semaphore, #tpu.memory_space<semaphore_mem>>)
        %dma_wait3A_235 = arith.constant 0 : i32
        %dma_wait3A_236 = tpu.memref_slice %arg5[%add3A_21, %dma_wait3A_235] : memref<4000x80xi32, #tpu.memory_space<hbm>> -> memref<25x80xi32, #tpu.memory_space<hbm>>
        %dma_wait3A_237 = arith.constant 0 : i32
        %dma_wait3A_238 = tpu.memref_slice %arg5[%add3A_21, %dma_wait3A_237] : memref<4000x80xi32, #tpu.memory_space<hbm>> -> memref<25x80xi32, #tpu.memory_space<hbm>>
        tpu.wait_dma2 semaphore(%run_scoped3A : memref<!tpu.dma_semaphore, #tpu.memory_space<semaphore_mem>>) src(%dma_wait3A_238 : memref<25x80xi32, #tpu.memory_space<hbm>>) dst(%arg13 : memref<25x80xi32, #tpu.memory_space<vmem>>)
        tpu.yield
      }) : () -> ()
      "tpu.region"() ({
        %run_scoped3A = tpu.sem_alloc : memref<!tpu.dma_semaphore, #tpu.memory_space<semaphore_mem>>
        %dma_start3A_231 = arith.constant 0 : i32
        %dma_start3A_232 = tpu.memref_slice %arg6[%add3A_21, %dma_start3A_231] : memref<4000x80xi32, #tpu.memory_space<hbm>> -> memref<25x80xi32, #tpu.memory_space<hbm>>
        %dma_start3A_233 = arith.constant 0 : i32
        %dma_start3A_234 = tpu.memref_slice %arg6[%add3A_21, %dma_start3A_233] : memref<4000x80xi32, #tpu.memory_space<hbm>> -> memref<25x80xi32, #tpu.memory_space<hbm>>
        tpu.enqueue_dma source(%dma_start3A_234 : memref<25x80xi32, #tpu.memory_space<hbm>>) target(%arg14 : memref<25x80xi32, #tpu.memory_space<vmem>>) target_semaphore(%run_scoped3A : memref<!tpu.dma_semaphore, #tpu.memory_space<semaphore_mem>>)
        %dma_wait3A_235 = arith.constant 0 : i32
        %dma_wait3A_236 = tpu.memref_slice %arg6[%add3A_21, %dma_wait3A_235] : memref<4000x80xi32, #tpu.memory_space<hbm>> -> memref<25x80xi32, #tpu.memory_space<hbm>>
        %dma_wait3A_237 = arith.constant 0 : i32
        %dma_wait3A_238 = tpu.memref_slice %arg6[%add3A_21, %dma_wait3A_237] : memref<4000x80xi32, #tpu.memory_space<hbm>> -> memref<25x80xi32, #tpu.memory_space<hbm>>
        tpu.wait_dma2 semaphore(%run_scoped3A : memref<!tpu.dma_semaphore, #tpu.memory_space<semaphore_mem>>) src(%dma_wait3A_238 : memref<25x80xi32, #tpu.memory_space<hbm>>) dst(%arg14 : memref<25x80xi32, #tpu.memory_space<vmem>>)
        tpu.yield
      }) : () -> ()
      %dma_start3A = arith.constant 0 : i32
      %dma_start3A_22 = arith.constant 0 : i32
      %dma_start3A_23 = tpu.memref_slice %arg13[%dma_start3A, %dma_start3A_22] : memref<25x80xi32, #tpu.memory_space<vmem>> -> memref<1x80xi32, #tpu.memory_space<vmem>>
      %dma_start3A_24 = tpu.memref_squeeze %dma_start3A_23 : memref<1x80xi32, #tpu.memory_space<vmem>> -> memref<80xi32, #tpu.memory_space<vmem>>
      %dma_start3A_25 = arith.constant 0 : i32
      %dma_start3A_26 = arith.constant 0 : i32
      %dma_start3A_27 = tpu.memref_slice %arg3[%dma_start3A_25, %dma_start3A_26] : memref<10000x16xf32, #tpu.memory_space<hbm>> -> memref<10000x16xf32, #tpu.memory_space<hbm>>
      tpu.enqueue_indirect_dma source(%dma_start3A_27 : memref<10000x16xf32, #tpu.memory_space<hbm>>) target(%arg16 : memref<80x16xf32, #tpu.memory_space<vmem>>) offsets(%dma_start3A_24 : memref<80xi32, #tpu.memory_space<vmem>>) semaphore(%arg23 : memref<!tpu.dma_semaphore, #tpu.memory_space<semaphore_mem>>)
      %dma_start3A_28 = arith.constant 0 : i32
      %dma_start3A_29 = arith.constant 0 : i32
      %dma_start3A_30 = tpu.memref_slice %arg14[%dma_start3A_28, %dma_start3A_29] : memref<25x80xi32, #tpu.memory_space<vmem>> -> memref<1x80xi32, #tpu.memory_space<vmem>>
      %dma_start3A_31 = tpu.memref_squeeze %dma_start3A_30 : memref<1x80xi32, #tpu.memory_space<vmem>> -> memref<80xi32, #tpu.memory_space<vmem>>
      %dma_start3A_32 = arith.constant 0 : i32
      %dma_start3A_33 = arith.constant 0 : i32
      %dma_start3A_34 = tpu.memref_slice %arg4[%dma_start3A_32, %dma_start3A_33] : memref<10000x16xf32, #tpu.memory_space<hbm>> -> memref<10000x16xf32, #tpu.memory_space<hbm>>
      tpu.enqueue_indirect_dma source(%dma_start3A_34 : memref<10000x16xf32, #tpu.memory_space<hbm>>) target(%arg17 : memref<80x16xf32, #tpu.memory_space<vmem>>) offsets(%dma_start3A_31 : memref<80xi32, #tpu.memory_space<vmem>>) semaphore(%arg24 : memref<!tpu.dma_semaphore, #tpu.memory_space<semaphore_mem>>)
      %dma_start3A_35 = arith.constant 0 : i32
      %dma_start3A_36 = arith.constant 0 : i32
      %dma_start3A_37 = tpu.memref_slice %arg13[%dma_start3A_35, %dma_start3A_36] : memref<25x80xi32, #tpu.memory_space<vmem>> -> memref<1x80xi32, #tpu.memory_space<vmem>>
      %dma_start3A_38 = tpu.memref_squeeze %dma_start3A_37 : memref<1x80xi32, #tpu.memory_space<vmem>> -> memref<80xi32, #tpu.memory_space<vmem>>
      %dma_start3A_39 = arith.constant 0 : i32
      %dma_start3A_40 = arith.constant 0 : i32
      %dma_start3A_41 = tpu.memref_slice %arg2[%dma_start3A_39, %dma_start3A_40] : memref<10000x128xf32, #tpu.memory_space<hbm>> -> memref<10000x128xf32, #tpu.memory_space<hbm>>
      tpu.enqueue_indirect_dma source(%dma_start3A_41 : memref<10000x128xf32, #tpu.memory_space<hbm>>) target(%arg15 : memref<80x128xf32, #tpu.memory_space<vmem>>) offsets(%dma_start3A_38 : memref<80xi32, #tpu.memory_space<vmem>>) semaphore(%arg25 : memref<!tpu.dma_semaphore, #tpu.memory_space<semaphore_mem>>)
      %dma_start3A_42 = arith.constant 1 : i32
      %dma_start3A_43 = arith.constant 0 : i32
      %dma_start3A_44 = tpu.memref_slice %arg13[%dma_start3A_42, %dma_start3A_43] : memref<25x80xi32, #tpu.memory_space<vmem>> -> memref<1x80xi32, #tpu.memory_space<vmem>>
      %dma_start3A_45 = tpu.memref_squeeze %dma_start3A_44 : memref<1x80xi32, #tpu.memory_space<vmem>> -> memref<80xi32, #tpu.memory_space<vmem>>
      %dma_start3A_46 = arith.constant 0 : i32
      %dma_start3A_47 = arith.constant 0 : i32
      %dma_start3A_48 = tpu.memref_slice %arg3[%dma_start3A_46, %dma_start3A_47] : memref<10000x16xf32, #tpu.memory_space<hbm>> -> memref<10000x16xf32, #tpu.memory_space<hbm>>
      tpu.enqueue_indirect_dma source(%dma_start3A_48 : memref<10000x16xf32, #tpu.memory_space<hbm>>) target(%arg20 : memref<80x16xf32, #tpu.memory_space<vmem>>) offsets(%dma_start3A_45 : memref<80xi32, #tpu.memory_space<vmem>>) semaphore(%arg26 : memref<!tpu.dma_semaphore, #tpu.memory_space<semaphore_mem>>)
      %dma_start3A_49 = arith.constant 1 : i32
      %dma_start3A_50 = arith.constant 0 : i32
      %dma_start3A_51 = tpu.memref_slice %arg14[%dma_start3A_49, %dma_start3A_50] : memref<25x80xi32, #tpu.memory_space<vmem>> -> memref<1x80xi32, #tpu.memory_space<vmem>>
      %dma_start3A_52 = tpu.memref_squeeze %dma_start3A_51 : memref<1x80xi32, #tpu.memory_space<vmem>> -> memref<80xi32, #tpu.memory_space<vmem>>
      %dma_start3A_53 = arith.constant 0 : i32
      %dma_start3A_54 = arith.constant 0 : i32
      %dma_start3A_55 = tpu.memref_slice %arg4[%dma_start3A_53, %dma_start3A_54] : memref<10000x16xf32, #tpu.memory_space<hbm>> -> memref<10000x16xf32, #tpu.memory_space<hbm>>
      tpu.enqueue_indirect_dma source(%dma_start3A_55 : memref<10000x16xf32, #tpu.memory_space<hbm>>) target(%arg21 : memref<80x16xf32, #tpu.memory_space<vmem>>) offsets(%dma_start3A_52 : memref<80xi32, #tpu.memory_space<vmem>>) semaphore(%arg27 : memref<!tpu.dma_semaphore, #tpu.memory_space<semaphore_mem>>)
      %dma_start3A_56 = arith.constant 1 : i32
      %dma_start3A_57 = arith.constant 0 : i32
      %dma_start3A_58 = tpu.memref_slice %arg13[%dma_start3A_56, %dma_start3A_57] : memref<25x80xi32, #tpu.memory_space<vmem>> -> memref<1x80xi32, #tpu.memory_space<vmem>>
      %dma_start3A_59 = tpu.memref_squeeze %dma_start3A_58 : memref<1x80xi32, #tpu.memory_space<vmem>> -> memref<80xi32, #tpu.memory_space<vmem>>
      %dma_start3A_60 = arith.constant 0 : i32
      %dma_start3A_61 = arith.constant 0 : i32
      %dma_start3A_62 = tpu.memref_slice %arg2[%dma_start3A_60, %dma_start3A_61] : memref<10000x128xf32, #tpu.memory_space<hbm>> -> memref<10000x128xf32, #tpu.memory_space<hbm>>
      tpu.enqueue_indirect_dma source(%dma_start3A_62 : memref<10000x128xf32, #tpu.memory_space<hbm>>) target(%arg19 : memref<80x128xf32, #tpu.memory_space<vmem>>) offsets(%dma_start3A_59 : memref<80xi32, #tpu.memory_space<vmem>>) semaphore(%arg28 : memref<!tpu.dma_semaphore, #tpu.memory_space<semaphore_mem>>)
      %scan3A_63 = arith.constant 0 : i32
      %scan3A_64 = arith.constant 0 : i32
      %scan3A_65 = arith.constant 12 : i32
      %scan3A_66 = arith.addi %scan3A_64, %scan3A_65 : i32
      %scan3A_67 = arith.constant 1 : i32
      scf.for %scan3A_231 = %scan3A_64 to %scan3A_66 step %scan3A_67  : i32 {
        %mul3A_232 = arith.constant 2 : i32
        %mul3A_233 = arith.muli %mul3A_232, %scan3A_231 : i32
        %dma_wait3A_234 = arith.constant 0 : i32
        %dma_wait3A_235 = tpu.memref_slice %arg13[%mul3A_233, %dma_wait3A_234] : memref<25x80xi32, #tpu.memory_space<vmem>> -> memref<1x80xi32, #tpu.memory_space<vmem>>
        %dma_wait3A_236 = tpu.memref_squeeze %dma_wait3A_235 : memref<1x80xi32, #tpu.memory_space<vmem>> -> memref<80xi32, #tpu.memory_space<vmem>>
        %dma_wait3A_237 = arith.constant 0 : i32
        %dma_wait3A_238 = arith.constant 0 : i32
        %dma_wait3A_239 = tpu.memref_slice %arg3[%dma_wait3A_237, %dma_wait3A_238] : memref<10000x16xf32, #tpu.memory_space<hbm>> -> memref<10000x16xf32, #tpu.memory_space<hbm>>
        tpu.wait_indirect_dma semaphore(%arg23 : memref<!tpu.dma_semaphore, #tpu.memory_space<semaphore_mem>>) src(%dma_wait3A_239 : memref<10000x16xf32, #tpu.memory_space<hbm>>) dst(%arg16 : memref<80x16xf32, #tpu.memory_space<vmem>>)
        %dma_wait3A_240 = arith.constant 0 : i32
        %dma_wait3A_241 = tpu.memref_slice %arg14[%mul3A_233, %dma_wait3A_240] : memref<25x80xi32, #tpu.memory_space<vmem>> -> memref<1x80xi32, #tpu.memory_space<vmem>>
        %dma_wait3A_242 = tpu.memref_squeeze %dma_wait3A_241 : memref<1x80xi32, #tpu.memory_space<vmem>> -> memref<80xi32, #tpu.memory_space<vmem>>
        %dma_wait3A_243 = arith.constant 0 : i32
        %dma_wait3A_244 = arith.constant 0 : i32
        %dma_wait3A_245 = tpu.memref_slice %arg4[%dma_wait3A_243, %dma_wait3A_244] : memref<10000x16xf32, #tpu.memory_space<hbm>> -> memref<10000x16xf32, #tpu.memory_space<hbm>>
        tpu.wait_indirect_dma semaphore(%arg24 : memref<!tpu.dma_semaphore, #tpu.memory_space<semaphore_mem>>) src(%dma_wait3A_245 : memref<10000x16xf32, #tpu.memory_space<hbm>>) dst(%arg17 : memref<80x16xf32, #tpu.memory_space<vmem>>)
        %dma_wait3A_246 = arith.constant 0 : i32
        %dma_wait3A_247 = tpu.memref_slice %arg13[%mul3A_233, %dma_wait3A_246] : memref<25x80xi32, #tpu.memory_space<vmem>> -> memref<1x80xi32, #tpu.memory_space<vmem>>
        %dma_wait3A_248 = tpu.memref_squeeze %dma_wait3A_247 : memref<1x80xi32, #tpu.memory_space<vmem>> -> memref<80xi32, #tpu.memory_space<vmem>>
        %dma_wait3A_249 = arith.constant 0 : i32
        %dma_wait3A_250 = arith.constant 0 : i32
        %dma_wait3A_251 = tpu.memref_slice %arg2[%dma_wait3A_249, %dma_wait3A_250] : memref<10000x128xf32, #tpu.memory_space<hbm>> -> memref<10000x128xf32, #tpu.memory_space<hbm>>
        tpu.wait_indirect_dma semaphore(%arg25 : memref<!tpu.dma_semaphore, #tpu.memory_space<semaphore_mem>>) src(%dma_wait3A_251 : memref<10000x128xf32, #tpu.memory_space<hbm>>) dst(%arg15 : memref<80x128xf32, #tpu.memory_space<vmem>>)
        %scan3A_252 = arith.constant 0 : i32
        %scan3A_253 = arith.constant 0 : i32
        %get3A_254 = arith.index_cast %scan3A_253 : i32 to index
        %get3A_255 = arith.constant 0 : index
        %get3A_256 = tpu.vector_load %arg16[%get3A_254, %get3A_255] {strides = array<i32>} : memref<80x16xf32, #tpu.memory_space<vmem>>, vector<1x16xf32>,
        %get3A_257 = vector.shape_cast %get3A_256 : vector<1x16xf32> to vector<16xf32>
        %get3A_258 = arith.index_cast %scan3A_253 : i32 to index
        %get3A_259 = arith.constant 0 : index
        %get3A_260 = tpu.vector_load %arg17[%get3A_258, %get3A_259] {strides = array<i32>} : memref<80x16xf32, #tpu.memory_space<vmem>>, vector<1x16xf32>,
        %get3A_261 = vector.shape_cast %get3A_260 : vector<1x16xf32> to vector<16xf32>
        %add3A_262 = arith.addf %get3A_257, %get3A_261 : vector<16xf32>
        %mul3A_263 = arith.constant 2.000000e-01 : f32
        %mul3A_264 = vector.broadcast %mul3A_263 : f32 to vector<16xf32>
        %mul3A_265 = arith.mulf %mul3A_264, %add3A_262 : vector<16xf32>
        %max3A_266 = arith.maximumf %add3A_262, %mul3A_265 : vector<16xf32>
        %exp3A_267 = math.exp %max3A_266 : vector<16xf32>
        %swap3A_268 = arith.index_cast %scan3A_253 : i32 to index
        %swap3A_269 = arith.constant 0 : index
        %swap3A_270 = tpu.vector_load %arg18[%swap3A_268, %swap3A_269] {strides = array<i32>} : memref<80x16xf32, #tpu.memory_space<vmem>>, vector<1x16xf32>,
        %swap3A_271 = vector.shape_cast %swap3A_270 : vector<1x16xf32> to vector<16xf32>
        %swap3A_272 = vector.shape_cast %exp3A_267 : vector<16xf32> to vector<1x16xf32>
        tpu.vector_store %arg18[%swap3A_268, %swap3A_269], %swap3A_272 {strides = array<i32>} : memref<80x16xf32, #tpu.memory_space<vmem>>, vector<1x16xf32>,
        %scan3A_273 = arith.constant 1 : i32
        %scan3A_274 = arith.constant 0 : i32
        %scan3A_275 = arith.constant 0 : i32
        %get3A_276 = arith.index_cast %scan3A_275 : i32 to index
        %get3A_277 = arith.constant 0 : index
        %get3A_278 = tpu.vector_load %arg18[%get3A_276, %get3A_277] {strides = array<i32>} : memref<80x16xf32, #tpu.memory_space<vmem>>, vector<1x16xf32>,
        %get3A_279 = vector.shape_cast %get3A_278 : vector<1x16xf32> to vector<16xf32>
        %slice3A_280 = vector.extract_strided_slice %get3A_279 {offsets = [0], sizes = [1], strides = [1]} : vector<16xf32> to vector<1xf32>
        %squeeze3A_281 = vector.extract %slice3A_280[0] : f32 from vector<1xf32>
        %broadcast_in_dim3A_282 = vector.broadcast %squeeze3A_281 : f32 to vector<16xf32>
        %get3A_283 = arith.index_cast %scan3A_275 : i32 to index
        %get3A_284 = arith.constant 0 : index
        %get3A_285 = tpu.vector_load %arg15[%get3A_283, %get3A_284] {strides = array<i32>} : memref<80x128xf32, #tpu.memory_space<vmem>>, vector<1x16xf32>,
        %get3A_286 = vector.shape_cast %get3A_285 : vector<1x16xf32> to vector<16xf32>
        %mul3A_287 = arith.mulf %get3A_286, %broadcast_in_dim3A_282 : vector<16xf32>
        %swap3A_288 = arith.index_cast %scan3A_275 : i32 to index
        %swap3A_289 = arith.constant 0 : index
        %swap3A_290 = tpu.vector_load %arg15[%swap3A_288, %swap3A_289] {strides = array<i32>} : memref<80x128xf32, #tpu.memory_space<vmem>>, vector<1x16xf32>,
        %swap3A_291 = vector.shape_cast %swap3A_290 : vector<1x16xf32> to vector<16xf32>
        %swap3A_292 = vector.shape_cast %mul3A_287 : vector<16xf32> to vector<1x16xf32>
        tpu.vector_store %arg15[%swap3A_288, %swap3A_289], %swap3A_292 {strides = array<i32>} : memref<80x128xf32, #tpu.memory_space<vmem>>, vector<1x16xf32>,
        %get3A_293 = arith.index_cast %scan3A_275 : i32 to index
        %get3A_294 = arith.constant 16 : index
        %get3A_295 = tpu.vector_load %arg15[%get3A_293, %get3A_294] {strides = array<i32>} : memref<80x128xf32, #tpu.memory_space<vmem>>, vector<1x16xf32>,
        %get3A_296 = vector.shape_cast %get3A_295 : vector<1x16xf32> to vector<16xf32>
        %mul3A_297 = arith.mulf %get3A_296, %broadcast_in_dim3A_282 : vector<16xf32>
        %swap3A_298 = arith.index_cast %scan3A_275 : i32 to index
        %swap3A_299 = arith.constant 16 : index
        %swap3A_300 = tpu.vector_load %arg15[%swap3A_298, %swap3A_299] {strides = array<i32>} : memref<80x128xf32, #tpu.memory_space<vmem>>, vector<1x16xf32>,
        %swap3A_301 = vector.shape_cast %swap3A_300 : vector<1x16xf32> to vector<16xf32>
        %swap3A_302 = vector.shape_cast %mul3A_297 : vector<16xf32> to vector<1x16xf32>
        tpu.vector_store %arg15[%swap3A_298, %swap3A_299], %swap3A_302 {strides = array<i32>} : memref<80x128xf32, #tpu.memory_space<vmem>>, vector<1x16xf32>,
        %slice3A_303 = vector.extract_strided_slice %get3A_279 {offsets = [1], sizes = [1], strides = [1]} : vector<16xf32> to vector<1xf32>
        %squeeze3A_304 = vector.extract %slice3A_303[0] : f32 from vector<1xf32>
        %broadcast_in_dim3A_305 = vector.broadcast %squeeze3A_304 : f32 to vector<16xf32>
        %get3A_306 = arith.index_cast %scan3A_275 : i32 to index
        %get3A_307 = arith.constant 32 : index
        %get3A_308 = tpu.vector_load %arg15[%get3A_306, %get3A_307] {strides = array<i32>} : memref<80x128xf32, #tpu.memory_space<vmem>>, vector<1x16xf32>,
        %get3A_309 = vector.shape_cast %get3A_308 : vector<1x16xf32> to vector<16xf32>
        %mul3A_310 = arith.mulf %get3A_309, %broadcast_in_dim3A_305 : vector<16xf32>
        %swap3A_311 = arith.index_cast %scan3A_275 : i32 to index
        %swap3A_312 = arith.constant 32 : index
        %swap3A_313 = tpu.vector_load %arg15[%swap3A_311, %swap3A_312] {strides = array<i32>} : memref<80x128xf32, #tpu.memory_space<vmem>>, vector<1x16xf32>,
        %swap3A_314 = vector.shape_cast %swap3A_313 : vector<1x16xf32> to vector<16xf32>
        %swap3A_315 = vector.shape_cast %mul3A_310 : vector<16xf32> to vector<1x16xf32>
        tpu.vector_store %arg15[%swap3A_311, %swap3A_312], %swap3A_315 {strides = array<i32>} : memref<80x128xf32, #tpu.memory_space<vmem>>, vector<1x16xf32>,
        %get3A_316 = arith.index_cast %scan3A_275 : i32 to index
        %get3A_317 = arith.constant 48 : index
        %get3A_318 = tpu.vector_load %arg15[%get3A_316, %get3A_317] {strides = array<i32>} : memref<80x128xf32, #tpu.memory_space<vmem>>, vector<1x16xf32>,
        %get3A_319 = vector.shape_cast %get3A_318 : vector<1x16xf32> to vector<16xf32>
        %mul3A_320 = arith.mulf %get3A_319, %broadcast_in_dim3A_305 : vector<16xf32>
        %swap3A_321 = arith.index_cast %scan3A_275 : i32 to index
        %swap3A_322 = arith.constant 48 : index
        %swap3A_323 = tpu.vector_load %arg15[%swap3A_321, %swap3A_322] {strides = array<i32>} : memref<80x128xf32, #tpu.memory_space<vmem>>, vector<1x16xf32>,
        %swap3A_324 = vector.shape_cast %swap3A_323 : vector<1x16xf32> to vector<16xf32>
        %swap3A_325 = vector.shape_cast %mul3A_320 : vector<16xf32> to vector<1x16xf32>
        tpu.vector_store %arg15[%swap3A_321, %swap3A_322], %swap3A_325 {strides = array<i32>} : memref<80x128xf32, #tpu.memory_space<vmem>>, vector<1x16xf32>,
        %slice3A_326 = vector.extract_strided_slice %get3A_279 {offsets = [2], sizes = [1], strides = [1]} : vector<16xf32> to vector<1xf32>
        %squeeze3A_327 = vector.extract %slice3A_326[0] : f32 from vector<1xf32>
        %broadcast_in_dim3A_328 = vector.broadcast %squeeze3A_327 : f32 to vector<16xf32>
        %get3A_329 = arith.index_cast %scan3A_275 : i32 to index
        %get3A_330 = arith.constant 64 : index
        %get3A_331 = tpu.vector_load %arg15[%get3A_329, %get3A_330] {strides = array<i32>} : memref<80x128xf32, #tpu.memory_space<vmem>>, vector<1x16xf32>,
        %get3A_332 = vector.shape_cast %get3A_331 : vector<1x16xf32> to vector<16xf32>
        %mul3A_333 = arith.mulf %get3A_332, %broadcast_in_dim3A_328 : vector<16xf32>
        %swap3A_334 = arith.index_cast %scan3A_275 : i32 to index
        %swap3A_335 = arith.constant 64 : index
        %swap3A_336 = tpu.vector_load %arg15[%swap3A_334, %swap3A_335] {strides = array<i32>} : memref<80x128xf32, #tpu.memory_space<vmem>>, vector<1x16xf32>,
        %swap3A_337 = vector.shape_cast %swap3A_336 : vector<1x16xf32> to vector<16xf32>
        %swap3A_338 = vector.shape_cast %mul3A_333 : vector<16xf32> to vector<1x16xf32>
        tpu.vector_store %arg15[%swap3A_334, %swap3A_335], %swap3A_338 {strides = array<i32>} : memref<80x128xf32, #tpu.memory_space<vmem>>, vector<1x16xf32>,
        %get3A_339 = arith.index_cast %scan3A_275 : i32 to index
        %get3A_340 = arith.constant 80 : index
        %get3A_341 = tpu.vector_load %arg15[%get3A_339, %get3A_340] {strides = array<i32>} : memref<80x128xf32, #tpu.memory_space<vmem>>, vector<1x16xf32>,
        %get3A_342 = vector.shape_cast %get3A_341 : vector<1x16xf32> to vector<16xf32>
        %mul3A_343 = arith.mulf %get3A_342, %broadcast_in_dim3A_328 : vector<16xf32>
        %swap3A_344 = arith.index_cast %scan3A_275 : i32 to index
        %swap3A_345 = arith.constant 80 : index
        %swap3A_346 = tpu.vector_load %arg15[%swap3A_344, %swap3A_345] {strides = array<i32>} : memref<80x128xf32, #tpu.memory_space<vmem>>, vector<1x16xf32>,
        %swap3A_347 = vector.shape_cast %swap3A_346 : vector<1x16xf32> to vector<16xf32>
        %swap3A_348 = vector.shape_cast %mul3A_343 : vector<16xf32> to vector<1x16xf32>
        tpu.vector_store %arg15[%swap3A_344, %swap3A_345], %swap3A_348 {strides = array<i32>} : memref<80x128xf32, #tpu.memory_space<vmem>>, vector<1x16xf32>,
        %slice3A_349 = vector.extract_strided_slice %get3A_279 {offsets = [3], sizes = [1], strides = [1]} : vector<16xf32> to vector<1xf32>
        %squeeze3A_350 = vector.extract %slice3A_349[0] : f32 from vector<1xf32>
        %broadcast_in_dim3A_351 = vector.broadcast %squeeze3A_350 : f32 to vector<16xf32>
        %get3A_352 = arith.index_cast %scan3A_275 : i32 to index
        %get3A_353 = arith.constant 96 : index
        %get3A_354 = tpu.vector_load %arg15[%get3A_352, %get3A_353] {strides = array<i32>} : memref<80x128xf32, #tpu.memory_space<vmem>>, vector<1x16xf32>,
        %get3A_355 = vector.shape_cast %get3A_354 : vector<1x16xf32> to vector<16xf32>
        %mul3A_356 = arith.mulf %get3A_355, %broadcast_in_dim3A_351 : vector<16xf32>
        %swap3A_357 = arith.index_cast %scan3A_275 : i32 to index
        %swap3A_358 = arith.constant 96 : index
        %swap3A_359 = tpu.vector_load %arg15[%swap3A_357, %swap3A_358] {strides = array<i32>} : memref<80x128xf32, #tpu.memory_space<vmem>>, vector<1x16xf32>,
        %swap3A_360 = vector.shape_cast %swap3A_359 : vector<1x16xf32> to vector<16xf32>
        %swap3A_361 = vector.shape_cast %mul3A_356 : vector<16xf32> to vector<1x16xf32>
        tpu.vector_store %arg15[%swap3A_357, %swap3A_358], %swap3A_361 {strides = array<i32>} : memref<80x128xf32, #tpu.memory_space<vmem>>, vector<1x16xf32>,
        %get3A_362 = arith.index_cast %scan3A_275 : i32 to index
        %get3A_363 = arith.constant 112 : index
        %get3A_364 = tpu.vector_load %arg15[%get3A_362, %get3A_363] {strides = array<i32>} : memref<80x128xf32, #tpu.memory_space<vmem>>, vector<1x16xf32>,
        %get3A_365 = vector.shape_cast %get3A_364 : vector<1x16xf32> to vector<16xf32>
        %mul3A_366 = arith.mulf %get3A_365, %broadcast_in_dim3A_351 : vector<16xf32>
        %swap3A_367 = arith.index_cast %scan3A_275 : i32 to index
        %swap3A_368 = arith.constant 112 : index
        %swap3A_369 = tpu.vector_load %arg15[%swap3A_367, %swap3A_368] {strides = array<i32>} : memref<80x128xf32, #tpu.memory_space<vmem>>, vector<1x16xf32>,
        %swap3A_370 = vector.shape_cast %swap3A_369 : vector<1x16xf32> to vector<16xf32>
        %swap3A_371 = vector.shape_cast %mul3A_366 : vector<16xf32> to vector<1x16xf32>
        tpu.vector_store %arg15[%swap3A_367, %swap3A_368], %swap3A_371 {strides = array<i32>} : memref<80x128xf32, #tpu.memory_space<vmem>>, vector<1x16xf32>,
        %scan3A_372 = arith.constant 1 : i32
        %dma_start3A_373 = arith.constant 0 : i32
        %dma_start3A_374 = tpu.memref_slice %arg14[%mul3A_233, %dma_start3A_373] : memref<25x80xi32, #tpu.memory_space<vmem>> -> memref<1x80xi32, #tpu.memory_space<vmem>>
        %dma_start3A_375 = tpu.memref_squeeze %dma_start3A_374 : memref<1x80xi32, #tpu.memory_space<vmem>> -> memref<80xi32, #tpu.memory_space<vmem>>
        %dma_start3A_376 = arith.constant 0 : i32
        %dma_start3A_377 = arith.constant 0 : i32
        %dma_start3A_378 = tpu.memref_slice %arg12[%dma_start3A_376, %dma_start3A_377] : memref<10000x16xf32, #tpu.memory_space<vmem_shared>> -> memref<10000x16xf32, #tpu.memory_space<vmem_shared>>
        tpu.enqueue_indirect_dma source(%arg18 : memref<80x16xf32, #tpu.memory_space<vmem>>) target(%dma_start3A_378 : memref<10000x16xf32, #tpu.memory_space<vmem_shared>>) offsets(%dma_start3A_375 : memref<80xi32, #tpu.memory_space<vmem>>) semaphore(%arg29 : memref<!tpu.dma_semaphore, #tpu.memory_space<semaphore_mem>>) {add = true}
        %dma_start3A_379 = arith.constant 0 : i32
        %dma_start3A_380 = tpu.memref_slice %arg14[%mul3A_233, %dma_start3A_379] : memref<25x80xi32, #tpu.memory_space<vmem>> -> memref<1x80xi32, #tpu.memory_space<vmem>>
        %dma_start3A_381 = tpu.memref_squeeze %dma_start3A_380 : memref<1x80xi32, #tpu.memory_space<vmem>> -> memref<80xi32, #tpu.memory_space<vmem>>
        %dma_start3A_382 = arith.constant 0 : i32
        %dma_start3A_383 = arith.constant 0 : i32
        %dma_start3A_384 = tpu.memref_slice %arg11[%dma_start3A_382, %dma_start3A_383] : memref<10000x128xf32, #tpu.memory_space<vmem_shared>> -> memref<10000x128xf32, #tpu.memory_space<vmem_shared>>
        tpu.enqueue_indirect_dma source(%arg15 : memref<80x128xf32, #tpu.memory_space<vmem>>) target(%dma_start3A_384 : memref<10000x128xf32, #tpu.memory_space<vmem_shared>>) offsets(%dma_start3A_381 : memref<80xi32, #tpu.memory_space<vmem>>) semaphore(%arg29 : memref<!tpu.dma_semaphore, #tpu.memory_space<semaphore_mem>>) {add = true}
        %add3A_385 = arith.constant 1 : i32
        %add3A_386 = arith.addi %mul3A_233, %add3A_385 : i32
        %dma_wait3A_387 = arith.constant 0 : i32
        %dma_wait3A_388 = tpu.memref_slice %arg13[%add3A_386, %dma_wait3A_387] : memref<25x80xi32, #tpu.memory_space<vmem>> -> memref<1x80xi32, #tpu.memory_space<vmem>>
        %dma_wait3A_389 = tpu.memref_squeeze %dma_wait3A_388 : memref<1x80xi32, #tpu.memory_space<vmem>> -> memref<80xi32, #tpu.memory_space<vmem>>
        %dma_wait3A_390 = arith.constant 0 : i32
        %dma_wait3A_391 = arith.constant 0 : i32
        %dma_wait3A_392 = tpu.memref_slice %arg3[%dma_wait3A_390, %dma_wait3A_391] : memref<10000x16xf32, #tpu.memory_space<hbm>> -> memref<10000x16xf32, #tpu.memory_space<hbm>>
        tpu.wait_indirect_dma semaphore(%arg26 : memref<!tpu.dma_semaphore, #tpu.memory_space<semaphore_mem>>) src(%dma_wait3A_392 : memref<10000x16xf32, #tpu.memory_space<hbm>>) dst(%arg20 : memref<80x16xf32, #tpu.memory_space<vmem>>)
        %dma_wait3A_393 = arith.constant 0 : i32
        %dma_wait3A_394 = tpu.memref_slice %arg14[%add3A_386, %dma_wait3A_393] : memref<25x80xi32, #tpu.memory_space<vmem>> -> memref<1x80xi32, #tpu.memory_space<vmem>>
        %dma_wait3A_395 = tpu.memref_squeeze %dma_wait3A_394 : memref<1x80xi32, #tpu.memory_space<vmem>> -> memref<80xi32, #tpu.memory_space<vmem>>
        %dma_wait3A_396 = arith.constant 0 : i32
        %dma_wait3A_397 = arith.constant 0 : i32
        %dma_wait3A_398 = tpu.memref_slice %arg4[%dma_wait3A_396, %dma_wait3A_397] : memref<10000x16xf32, #tpu.memory_space<hbm>> -> memref<10000x16xf32, #tpu.memory_space<hbm>>
        tpu.wait_indirect_dma semaphore(%arg27 : memref<!tpu.dma_semaphore, #tpu.memory_space<semaphore_mem>>) src(%dma_wait3A_398 : memref<10000x16xf32, #tpu.memory_space<hbm>>) dst(%arg21 : memref<80x16xf32, #tpu.memory_space<vmem>>)
        %dma_wait3A_399 = arith.constant 0 : i32
        %dma_wait3A_400 = tpu.memref_slice %arg13[%add3A_386, %dma_wait3A_399] : memref<25x80xi32, #tpu.memory_space<vmem>> -> memref<1x80xi32, #tpu.memory_space<vmem>>
        %dma_wait3A_401 = tpu.memref_squeeze %dma_wait3A_400 : memref<1x80xi32, #tpu.memory_space<vmem>> -> memref<80xi32, #tpu.memory_space<vmem>>
        %dma_wait3A_402 = arith.constant 0 : i32
        %dma_wait3A_403 = arith.constant 0 : i32
        %dma_wait3A_404 = tpu.memref_slice %arg2[%dma_wait3A_402, %dma_wait3A_403] : memref<10000x128xf32, #tpu.memory_space<hbm>> -> memref<10000x128xf32, #tpu.memory_space<hbm>>
        tpu.wait_indirect_dma semaphore(%arg28 : memref<!tpu.dma_semaphore, #tpu.memory_space<semaphore_mem>>) src(%dma_wait3A_404 : memref<10000x128xf32, #tpu.memory_space<hbm>>) dst(%arg19 : memref<80x128xf32, #tpu.memory_space<vmem>>)
        %add3A_405 = arith.constant 1 : i32
        %add3A_406 = arith.addi %mul3A_233, %add3A_405 : i32
        %scan3A_407 = arith.constant 0 : i32
        %scan3A_408 = arith.constant 0 : i32
        %get3A_409 = arith.index_cast %scan3A_408 : i32 to index
        %get3A_410 = arith.constant 0 : index
        %get3A_411 = tpu.vector_load %arg20[%get3A_409, %get3A_410] {strides = array<i32>} : memref<80x16xf32, #tpu.memory_space<vmem>>, vector<1x16xf32>,
        %get3A_412 = vector.shape_cast %get3A_411 : vector<1x16xf32> to vector<16xf32>
        %get3A_413 = arith.index_cast %scan3A_408 : i32 to index
        %get3A_414 = arith.constant 0 : index
        %get3A_415 = tpu.vector_load %arg21[%get3A_413, %get3A_414] {strides = array<i32>} : memref<80x16xf32, #tpu.memory_space<vmem>>, vector<1x16xf32>,
        %get3A_416 = vector.shape_cast %get3A_415 : vector<1x16xf32> to vector<16xf32>
        %add3A_417 = arith.addf %get3A_412, %get3A_416 : vector<16xf32>
        %mul3A_418 = arith.constant 2.000000e-01 : f32
        %mul3A_419 = vector.broadcast %mul3A_418 : f32 to vector<16xf32>
        %mul3A_420 = arith.mulf %mul3A_419, %add3A_417 : vector<16xf32>
        %max3A_421 = arith.maximumf %add3A_417, %mul3A_420 : vector<16xf32>
        %exp3A_422 = math.exp %max3A_421 : vector<16xf32>
        %swap3A_423 = arith.index_cast %scan3A_408 : i32 to index
        %swap3A_424 = arith.constant 0 : index
        %swap3A_425 = tpu.vector_load %arg22[%swap3A_423, %swap3A_424] {strides = array<i32>} : memref<80x16xf32, #tpu.memory_space<vmem>>, vector<1x16xf32>,
        %swap3A_426 = vector.shape_cast %swap3A_425 : vector<1x16xf32> to vector<16xf32>
        %swap3A_427 = vector.shape_cast %exp3A_422 : vector<16xf32> to vector<1x16xf32>
        tpu.vector_store %arg22[%swap3A_423, %swap3A_424], %swap3A_427 {strides = array<i32>} : memref<80x16xf32, #tpu.memory_space<vmem>>, vector<1x16xf32>,
        %scan3A_428 = arith.constant 1 : i32
        %scan3A_429 = arith.constant 0 : i32
        %scan3A_430 = arith.constant 0 : i32
        %get3A_431 = arith.index_cast %scan3A_430 : i32 to index
        %get3A_432 = arith.constant 0 : index
        %get3A_433 = tpu.vector_load %arg22[%get3A_431, %get3A_432] {strides = array<i32>} : memref<80x16xf32, #tpu.memory_space<vmem>>, vector<1x16xf32>,
        %get3A_434 = vector.shape_cast %get3A_433 : vector<1x16xf32> to vector<16xf32>
        %slice3A_435 = vector.extract_strided_slice %get3A_434 {offsets = [0], sizes = [1], strides = [1]} : vector<16xf32> to vector<1xf32>
        %squeeze3A_436 = vector.extract %slice3A_435[0] : f32 from vector<1xf32>
        %broadcast_in_dim3A_437 = vector.broadcast %squeeze3A_436 : f32 to vector<16xf32>
        %get3A_438 = arith.index_cast %scan3A_430 : i32 to index
        %get3A_439 = arith.constant 0 : index
        %get3A_440 = tpu.vector_load %arg19[%get3A_438, %get3A_439] {strides = array<i32>} : memref<80x128xf32, #tpu.memory_space<vmem>>, vector<1x16xf32>,
        %get3A_441 = vector.shape_cast %get3A_440 : vector<1x16xf32> to vector<16xf32>
        %mul3A_442 = arith.mulf %get3A_441, %broadcast_in_dim3A_437 : vector<16xf32>
        %swap3A_443 = arith.index_cast %scan3A_430 : i32 to index
        %swap3A_444 = arith.constant 0 : index
        %swap3A_445 = tpu.vector_load %arg19[%swap3A_443, %swap3A_444] {strides = array<i32>} : memref<80x128xf32, #tpu.memory_space<vmem>>, vector<1x16xf32>,
        %swap3A_446 = vector.shape_cast %swap3A_445 : vector<1x16xf32> to vector<16xf32>
        %swap3A_447 = vector.shape_cast %mul3A_442 : vector<16xf32> to vector<1x16xf32>
        tpu.vector_store %arg19[%swap3A_443, %swap3A_444], %swap3A_447 {strides = array<i32>} : memref<80x128xf32, #tpu.memory_space<vmem>>, vector<1x16xf32>,
        %get3A_448 = arith.index_cast %scan3A_430 : i32 to index
        %get3A_449 = arith.constant 16 : index
        %get3A_450 = tpu.vector_load %arg19[%get3A_448, %get3A_449] {strides = array<i32>} : memref<80x128xf32, #tpu.memory_space<vmem>>, vector<1x16xf32>,
        %get3A_451 = vector.shape_cast %get3A_450 : vector<1x16xf32> to vector<16xf32>
        %mul3A_452 = arith.mulf %get3A_451, %broadcast_in_dim3A_437 : vector<16xf32>
        %swap3A_453 = arith.index_cast %scan3A_430 : i32 to index
        %swap3A_454 = arith.constant 16 : index
        %swap3A_455 = tpu.vector_load %arg19[%swap3A_453, %swap3A_454] {strides = array<i32>} : memref<80x128xf32, #tpu.memory_space<vmem>>, vector<1x16xf32>,
        %swap3A_456 = vector.shape_cast %swap3A_455 : vector<1x16xf32> to vector<16xf32>
        %swap3A_457 = vector.shape_cast %mul3A_452 : vector<16xf32> to vector<1x16xf32>
        tpu.vector_store %arg19[%swap3A_453, %swap3A_454], %swap3A_457 {strides = array<i32>} : memref<80x128xf32, #tpu.memory_space<vmem>>, vector<1x16xf32>,
        %slice3A_458 = vector.extract_strided_slice %get3A_434 {offsets = [1], sizes = [1], strides = [1]} : vector<16xf32> to vector<1xf32>
        %squeeze3A_459 = vector.extract %slice3A_458[0] : f32 from vector<1xf32>
        %broadcast_in_dim3A_460 = vector.broadcast %squeeze3A_459 : f32 to vector<16xf32>
        %get3A_461 = arith.index_cast %scan3A_430 : i32 to index
        %get3A_462 = arith.constant 32 : index
        %get3A_463 = tpu.vector_load %arg19[%get3A_461, %get3A_462] {strides = array<i32>} : memref<80x128xf32, #tpu.memory_space<vmem>>, vector<1x16xf32>,
        %get3A_464 = vector.shape_cast %get3A_463 : vector<1x16xf32> to vector<16xf32>
        %mul3A_465 = arith.mulf %get3A_464, %broadcast_in_dim3A_460 : vector<16xf32>
        %swap3A_466 = arith.index_cast %scan3A_430 : i32 to index
        %swap3A_467 = arith.constant 32 : index
        %swap3A_468 = tpu.vector_load %arg19[%swap3A_466, %swap3A_467] {strides = array<i32>} : memref<80x128xf32, #tpu.memory_space<vmem>>, vector<1x16xf32>,
        %swap3A_469 = vector.shape_cast %swap3A_468 : vector<1x16xf32> to vector<16xf32>
        %swap3A_470 = vector.shape_cast %mul3A_465 : vector<16xf32> to vector<1x16xf32>
        tpu.vector_store %arg19[%swap3A_466, %swap3A_467], %swap3A_470 {strides = array<i32>} : memref<80x128xf32, #tpu.memory_space<vmem>>, vector<1x16xf32>,
        %get3A_471 = arith.index_cast %scan3A_430 : i32 to index
        %get3A_472 = arith.constant 48 : index
        %get3A_473 = tpu.vector_load %arg19[%get3A_471, %get3A_472] {strides = array<i32>} : memref<80x128xf32, #tpu.memory_space<vmem>>, vector<1x16xf32>,
        %get3A_474 = vector.shape_cast %get3A_473 : vector<1x16xf32> to vector<16xf32>
        %mul3A_475 = arith.mulf %get3A_474, %broadcast_in_dim3A_460 : vector<16xf32>
        %swap3A_476 = arith.index_cast %scan3A_430 : i32 to index
        %swap3A_477 = arith.constant 48 : index
        %swap3A_478 = tpu.vector_load %arg19[%swap3A_476, %swap3A_477] {strides = array<i32>} : memref<80x128xf32, #tpu.memory_space<vmem>>, vector<1x16xf32>,
        %swap3A_479 = vector.shape_cast %swap3A_478 : vector<1x16xf32> to vector<16xf32>
        %swap3A_480 = vector.shape_cast %mul3A_475 : vector<16xf32> to vector<1x16xf32>
        tpu.vector_store %arg19[%swap3A_476, %swap3A_477], %swap3A_480 {strides = array<i32>} : memref<80x128xf32, #tpu.memory_space<vmem>>, vector<1x16xf32>,
        %slice3A_481 = vector.extract_strided_slice %get3A_434 {offsets = [2], sizes = [1], strides = [1]} : vector<16xf32> to vector<1xf32>
        %squeeze3A_482 = vector.extract %slice3A_481[0] : f32 from vector<1xf32>
        %broadcast_in_dim3A_483 = vector.broadcast %squeeze3A_482 : f32 to vector<16xf32>
        %get3A_484 = arith.index_cast %scan3A_430 : i32 to index
        %get3A_485 = arith.constant 64 : index
        %get3A_486 = tpu.vector_load %arg19[%get3A_484, %get3A_485] {strides = array<i32>} : memref<80x128xf32, #tpu.memory_space<vmem>>, vector<1x16xf32>,
        %get3A_487 = vector.shape_cast %get3A_486 : vector<1x16xf32> to vector<16xf32>
        %mul3A_488 = arith.mulf %get3A_487, %broadcast_in_dim3A_483 : vector<16xf32>
        %swap3A_489 = arith.index_cast %scan3A_430 : i32 to index
        %swap3A_490 = arith.constant 64 : index
        %swap3A_491 = tpu.vector_load %arg19[%swap3A_489, %swap3A_490] {strides = array<i32>} : memref<80x128xf32, #tpu.memory_space<vmem>>, vector<1x16xf32>,
        %swap3A_492 = vector.shape_cast %swap3A_491 : vector<1x16xf32> to vector<16xf32>
        %swap3A_493 = vector.shape_cast %mul3A_488 : vector<16xf32> to vector<1x16xf32>
        tpu.vector_store %arg19[%swap3A_489, %swap3A_490], %swap3A_493 {strides = array<i32>} : memref<80x128xf32, #tpu.memory_space<vmem>>, vector<1x16xf32>,
        %get3A_494 = arith.index_cast %scan3A_430 : i32 to index
        %get3A_495 = arith.constant 80 : index
        %get3A_496 = tpu.vector_load %arg19[%get3A_494, %get3A_495] {strides = array<i32>} : memref<80x128xf32, #tpu.memory_space<vmem>>, vector<1x16xf32>,
        %get3A_497 = vector.shape_cast %get3A_496 : vector<1x16xf32> to vector<16xf32>
        %mul3A_498 = arith.mulf %get3A_497, %broadcast_in_dim3A_483 : vector<16xf32>
        %swap3A_499 = arith.index_cast %scan3A_430 : i32 to index
        %swap3A_500 = arith.constant 80 : index
        %swap3A_501 = tpu.vector_load %arg19[%swap3A_499, %swap3A_500] {strides = array<i32>} : memref<80x128xf32, #tpu.memory_space<vmem>>, vector<1x16xf32>,
        %swap3A_502 = vector.shape_cast %swap3A_501 : vector<1x16xf32> to vector<16xf32>
        %swap3A_503 = vector.shape_cast %mul3A_498 : vector<16xf32> to vector<1x16xf32>
        tpu.vector_store %arg19[%swap3A_499, %swap3A_500], %swap3A_503 {strides = array<i32>} : memref<80x128xf32, #tpu.memory_space<vmem>>, vector<1x16xf32>,
        %slice3A_504 = vector.extract_strided_slice %get3A_434 {offsets = [3], sizes = [1], strides = [1]} : vector<16xf32> to vector<1xf32>
        %squeeze3A_505 = vector.extract %slice3A_504[0] : f32 from vector<1xf32>
        %broadcast_in_dim3A_506 = vector.broadcast %squeeze3A_505 : f32 to vector<16xf32>
        %get3A_507 = arith.index_cast %scan3A_430 : i32 to index
        %get3A_508 = arith.constant 96 : index
        %get3A_509 = tpu.vector_load %arg19[%get3A_507, %get3A_508] {strides = array<i32>} : memref<80x128xf32, #tpu.memory_space<vmem>>, vector<1x16xf32>,
        %get3A_510 = vector.shape_cast %get3A_509 : vector<1x16xf32> to vector<16xf32>
        %mul3A_511 = arith.mulf %get3A_510, %broadcast_in_dim3A_506 : vector<16xf32>
        %swap3A_512 = arith.index_cast %scan3A_430 : i32 to index
        %swap3A_513 = arith.constant 96 : index
        %swap3A_514 = tpu.vector_load %arg19[%swap3A_512, %swap3A_513] {strides = array<i32>} : memref<80x128xf32, #tpu.memory_space<vmem>>, vector<1x16xf32>,
        %swap3A_515 = vector.shape_cast %swap3A_514 : vector<1x16xf32> to vector<16xf32>
        %swap3A_516 = vector.shape_cast %mul3A_511 : vector<16xf32> to vector<1x16xf32>
        tpu.vector_store %arg19[%swap3A_512, %swap3A_513], %swap3A_516 {strides = array<i32>} : memref<80x128xf32, #tpu.memory_space<vmem>>, vector<1x16xf32>,
        %get3A_517 = arith.index_cast %scan3A_430 : i32 to index
        %get3A_518 = arith.constant 112 : index
        %get3A_519 = tpu.vector_load %arg19[%get3A_517, %get3A_518] {strides = array<i32>} : memref<80x128xf32, #tpu.memory_space<vmem>>, vector<1x16xf32>,
        %get3A_520 = vector.shape_cast %get3A_519 : vector<1x16xf32> to vector<16xf32>
        %mul3A_521 = arith.mulf %get3A_520, %broadcast_in_dim3A_506 : vector<16xf32>
        %swap3A_522 = arith.index_cast %scan3A_430 : i32 to index
        %swap3A_523 = arith.constant 112 : index
        %swap3A_524 = tpu.vector_load %arg19[%swap3A_522, %swap3A_523] {strides = array<i32>} : memref<80x128xf32, #tpu.memory_space<vmem>>, vector<1x16xf32>,
        %swap3A_525 = vector.shape_cast %swap3A_524 : vector<1x16xf32> to vector<16xf32>
        %swap3A_526 = vector.shape_cast %mul3A_521 : vector<16xf32> to vector<1x16xf32>
        tpu.vector_store %arg19[%swap3A_522, %swap3A_523], %swap3A_526 {strides = array<i32>} : memref<80x128xf32, #tpu.memory_space<vmem>>, vector<1x16xf32>,
        %scan3A_527 = arith.constant 1 : i32
        %add3A_528 = arith.constant 1 : i32
        %add3A_529 = arith.addi %mul3A_233, %add3A_528 : i32
        %dma_start3A_530 = arith.constant 0 : i32
        %dma_start3A_531 = tpu.memref_slice %arg14[%add3A_529, %dma_start3A_530] : memref<25x80xi32, #tpu.memory_space<vmem>> -> memref<1x80xi32, #tpu.memory_space<vmem>>
        %dma_start3A_532 = tpu.memref_squeeze %dma_start3A_531 : memref<1x80xi32, #tpu.memory_space<vmem>> -> memref<80xi32, #tpu.memory_space<vmem>>
        %dma_start3A_533 = arith.constant 0 : i32
        %dma_start3A_534 = arith.constant 0 : i32
        %dma_start3A_535 = tpu.memref_slice %arg12[%dma_start3A_533, %dma_start3A_534] : memref<10000x16xf32, #tpu.memory_space<vmem_shared>> -> memref<10000x16xf32, #tpu.memory_space<vmem_shared>>
        tpu.enqueue_indirect_dma source(%arg22 : memref<80x16xf32, #tpu.memory_space<vmem>>) target(%dma_start3A_535 : memref<10000x16xf32, #tpu.memory_space<vmem_shared>>) offsets(%dma_start3A_532 : memref<80xi32, #tpu.memory_space<vmem>>) semaphore(%arg30 : memref<!tpu.dma_semaphore, #tpu.memory_space<semaphore_mem>>) {add = true}
        %dma_start3A_536 = arith.constant 0 : i32
        %dma_start3A_537 = tpu.memref_slice %arg14[%add3A_529, %dma_start3A_536] : memref<25x80xi32, #tpu.memory_space<vmem>> -> memref<1x80xi32, #tpu.memory_space<vmem>>
        %dma_start3A_538 = tpu.memref_squeeze %dma_start3A_537 : memref<1x80xi32, #tpu.memory_space<vmem>> -> memref<80xi32, #tpu.memory_space<vmem>>
        %dma_start3A_539 = arith.constant 0 : i32
        %dma_start3A_540 = arith.constant 0 : i32
        %dma_start3A_541 = tpu.memref_slice %arg11[%dma_start3A_539, %dma_start3A_540] : memref<10000x128xf32, #tpu.memory_space<vmem_shared>> -> memref<10000x128xf32, #tpu.memory_space<vmem_shared>>
        tpu.enqueue_indirect_dma source(%arg19 : memref<80x128xf32, #tpu.memory_space<vmem>>) target(%dma_start3A_541 : memref<10000x128xf32, #tpu.memory_space<vmem_shared>>) offsets(%dma_start3A_538 : memref<80xi32, #tpu.memory_space<vmem>>) semaphore(%arg30 : memref<!tpu.dma_semaphore, #tpu.memory_space<semaphore_mem>>) {add = true}
        %dma_wait3A_542 = arith.constant 0 : i32
        %dma_wait3A_543 = tpu.memref_slice %arg14[%mul3A_233, %dma_wait3A_542] : memref<25x80xi32, #tpu.memory_space<vmem>> -> memref<1x80xi32, #tpu.memory_space<vmem>>
        %dma_wait3A_544 = tpu.memref_squeeze %dma_wait3A_543 : memref<1x80xi32, #tpu.memory_space<vmem>> -> memref<80xi32, #tpu.memory_space<vmem>>
        %dma_wait3A_545 = arith.constant 0 : i32
        %dma_wait3A_546 = arith.constant 0 : i32
        %dma_wait3A_547 = tpu.memref_slice %arg12[%dma_wait3A_545, %dma_wait3A_546] : memref<10000x16xf32, #tpu.memory_space<vmem_shared>> -> memref<10000x16xf32, #tpu.memory_space<vmem_shared>>
        tpu.wait_indirect_dma semaphore(%arg29 : memref<!tpu.dma_semaphore, #tpu.memory_space<semaphore_mem>>) src(%arg18 : memref<80x16xf32, #tpu.memory_space<vmem>>) dst(%dma_wait3A_547 : memref<10000x16xf32, #tpu.memory_space<vmem_shared>>)
        %dma_wait3A_548 = arith.constant 0 : i32
        %dma_wait3A_549 = tpu.memref_slice %arg14[%mul3A_233, %dma_wait3A_548] : memref<25x80xi32, #tpu.memory_space<vmem>> -> memref<1x80xi32, #tpu.memory_space<vmem>>
        %dma_wait3A_550 = tpu.memref_squeeze %dma_wait3A_549 : memref<1x80xi32, #tpu.memory_space<vmem>> -> memref<80xi32, #tpu.memory_space<vmem>>
        %dma_wait3A_551 = arith.constant 0 : i32
        %dma_wait3A_552 = arith.constant 0 : i32
        %dma_wait3A_553 = tpu.memref_slice %arg11[%dma_wait3A_551, %dma_wait3A_552] : memref<10000x128xf32, #tpu.memory_space<vmem_shared>> -> memref<10000x128xf32, #tpu.memory_space<vmem_shared>>
        tpu.wait_indirect_dma semaphore(%arg29 : memref<!tpu.dma_semaphore, #tpu.memory_space<semaphore_mem>>) src(%arg15 : memref<80x128xf32, #tpu.memory_space<vmem>>) dst(%dma_wait3A_553 : memref<10000x128xf32, #tpu.memory_space<vmem_shared>>)
        %add3A_554 = arith.constant 2 : i32
        %add3A_555 = arith.addi %mul3A_233, %add3A_554 : i32
        %dma_start3A_556 = arith.constant 0 : i32
        %dma_start3A_557 = tpu.memref_slice %arg13[%add3A_555, %dma_start3A_556] : memref<25x80xi32, #tpu.memory_space<vmem>> -> memref<1x80xi32, #tpu.memory_space<vmem>>
        %dma_start3A_558 = tpu.memref_squeeze %dma_start3A_557 : memref<1x80xi32, #tpu.memory_space<vmem>> -> memref<80xi32, #tpu.memory_space<vmem>>
        %dma_start3A_559 = arith.constant 0 : i32
        %dma_start3A_560 = arith.constant 0 : i32
        %dma_start3A_561 = tpu.memref_slice %arg3[%dma_start3A_559, %dma_start3A_560] : memref<10000x16xf32, #tpu.memory_space<hbm>> -> memref<10000x16xf32, #tpu.memory_space<hbm>>
        tpu.enqueue_indirect_dma source(%dma_start3A_561 : memref<10000x16xf32, #tpu.memory_space<hbm>>) target(%arg16 : memref<80x16xf32, #tpu.memory_space<vmem>>) offsets(%dma_start3A_558 : memref<80xi32, #tpu.memory_space<vmem>>) semaphore(%arg23 : memref<!tpu.dma_semaphore, #tpu.memory_space<semaphore_mem>>)
        %dma_start3A_562 = arith.constant 0 : i32
        %dma_start3A_563 = tpu.memref_slice %arg14[%add3A_555, %dma_start3A_562] : memref<25x80xi32, #tpu.memory_space<vmem>> -> memref<1x80xi32, #tpu.memory_space<vmem>>
        %dma_start3A_564 = tpu.memref_squeeze %dma_start3A_563 : memref<1x80xi32, #tpu.memory_space<vmem>> -> memref<80xi32, #tpu.memory_space<vmem>>
        %dma_start3A_565 = arith.constant 0 : i32
        %dma_start3A_566 = arith.constant 0 : i32
        %dma_start3A_567 = tpu.memref_slice %arg4[%dma_start3A_565, %dma_start3A_566] : memref<10000x16xf32, #tpu.memory_space<hbm>> -> memref<10000x16xf32, #tpu.memory_space<hbm>>
        tpu.enqueue_indirect_dma source(%dma_start3A_567 : memref<10000x16xf32, #tpu.memory_space<hbm>>) target(%arg17 : memref<80x16xf32, #tpu.memory_space<vmem>>) offsets(%dma_start3A_564 : memref<80xi32, #tpu.memory_space<vmem>>) semaphore(%arg24 : memref<!tpu.dma_semaphore, #tpu.memory_space<semaphore_mem>>)
        %dma_start3A_568 = arith.constant 0 : i32
        %dma_start3A_569 = tpu.memref_slice %arg13[%add3A_555, %dma_start3A_568] : memref<25x80xi32, #tpu.memory_space<vmem>> -> memref<1x80xi32, #tpu.memory_space<vmem>>
        %dma_start3A_570 = tpu.memref_squeeze %dma_start3A_569 : memref<1x80xi32, #tpu.memory_space<vmem>> -> memref<80xi32, #tpu.memory_space<vmem>>
        %dma_start3A_571 = arith.constant 0 : i32
        %dma_start3A_572 = arith.constant 0 : i32
        %dma_start3A_573 = tpu.memref_slice %arg2[%dma_start3A_571, %dma_start3A_572] : memref<10000x128xf32, #tpu.memory_space<hbm>> -> memref<10000x128xf32, #tpu.memory_space<hbm>>
        tpu.enqueue_indirect_dma source(%dma_start3A_573 : memref<10000x128xf32, #tpu.memory_space<hbm>>) target(%arg15 : memref<80x128xf32, #tpu.memory_space<vmem>>) offsets(%dma_start3A_570 : memref<80xi32, #tpu.memory_space<vmem>>) semaphore(%arg25 : memref<!tpu.dma_semaphore, #tpu.memory_space<semaphore_mem>>)
        %add3A_574 = arith.constant 1 : i32
        %add3A_575 = arith.addi %mul3A_233, %add3A_574 : i32
        %dma_wait3A_576 = arith.constant 0 : i32
        %dma_wait3A_577 = tpu.memref_slice %arg14[%add3A_575, %dma_wait3A_576] : memref<25x80xi32, #tpu.memory_space<vmem>> -> memref<1x80xi32, #tpu.memory_space<vmem>>
        %dma_wait3A_578 = tpu.memref_squeeze %dma_wait3A_577 : memref<1x80xi32, #tpu.memory_space<vmem>> -> memref<80xi32, #tpu.memory_space<vmem>>
        %dma_wait3A_579 = arith.constant 0 : i32
        %dma_wait3A_580 = arith.constant 0 : i32
        %dma_wait3A_581 = tpu.memref_slice %arg12[%dma_wait3A_579, %dma_wait3A_580] : memref<10000x16xf32, #tpu.memory_space<vmem_shared>> -> memref<10000x16xf32, #tpu.memory_space<vmem_shared>>
        tpu.wait_indirect_dma semaphore(%arg30 : memref<!tpu.dma_semaphore, #tpu.memory_space<semaphore_mem>>) src(%arg22 : memref<80x16xf32, #tpu.memory_space<vmem>>) dst(%dma_wait3A_581 : memref<10000x16xf32, #tpu.memory_space<vmem_shared>>)
        %dma_wait3A_582 = arith.constant 0 : i32
        %dma_wait3A_583 = tpu.memref_slice %arg14[%add3A_575, %dma_wait3A_582] : memref<25x80xi32, #tpu.memory_space<vmem>> -> memref<1x80xi32, #tpu.memory_space<vmem>>
        %dma_wait3A_584 = tpu.memref_squeeze %dma_wait3A_583 : memref<1x80xi32, #tpu.memory_space<vmem>> -> memref<80xi32, #tpu.memory_space<vmem>>
        %dma_wait3A_585 = arith.constant 0 : i32
        %dma_wait3A_586 = arith.constant 0 : i32
        %dma_wait3A_587 = tpu.memref_slice %arg11[%dma_wait3A_585, %dma_wait3A_586] : memref<10000x128xf32, #tpu.memory_space<vmem_shared>> -> memref<10000x128xf32, #tpu.memory_space<vmem_shared>>
        tpu.wait_indirect_dma semaphore(%arg30 : memref<!tpu.dma_semaphore, #tpu.memory_space<semaphore_mem>>) src(%arg19 : memref<80x128xf32, #tpu.memory_space<vmem>>) dst(%dma_wait3A_587 : memref<10000x128xf32, #tpu.memory_space<vmem_shared>>)
        %add3A_588 = arith.constant 3 : i32
        %add3A_589 = arith.addi %mul3A_233, %add3A_588 : i32
        %lt3A = arith.constant 25 : i32
        %lt3A_590 = arith.cmpi slt, %add3A_589, %lt3A : i32
        %convert_element_type3A_591 = arith.extui %lt3A_590 : i1 to i32
        %cond3A_592 = arith.constant 0 : i32
        %cond3A_593 = arith.cmpi ne, %convert_element_type3A_591, %cond3A_592 : i32
        scf.if %cond3A_593 {
          %add3A_594 = arith.constant 3 : i32
          %add3A_595 = arith.addi %mul3A_233, %add3A_594 : i32
          %dma_start3A_596 = arith.constant 0 : i32
          %dma_start3A_597 = tpu.memref_slice %arg13[%add3A_595, %dma_start3A_596] : memref<25x80xi32, #tpu.memory_space<vmem>> -> memref<1x80xi32, #tpu.memory_space<vmem>>
          %dma_start3A_598 = tpu.memref_squeeze %dma_start3A_597 : memref<1x80xi32, #tpu.memory_space<vmem>> -> memref<80xi32, #tpu.memory_space<vmem>>
          %dma_start3A_599 = arith.constant 0 : i32
          %dma_start3A_600 = arith.constant 0 : i32
          %dma_start3A_601 = tpu.memref_slice %arg3[%dma_start3A_599, %dma_start3A_600] : memref<10000x16xf32, #tpu.memory_space<hbm>> -> memref<10000x16xf32, #tpu.memory_space<hbm>>
          tpu.enqueue_indirect_dma source(%dma_start3A_601 : memref<10000x16xf32, #tpu.memory_space<hbm>>) target(%arg20 : memref<80x16xf32, #tpu.memory_space<vmem>>) offsets(%dma_start3A_598 : memref<80xi32, #tpu.memory_space<vmem>>) semaphore(%arg26 : memref<!tpu.dma_semaphore, #tpu.memory_space<semaphore_mem>>)
          %dma_start3A_602 = arith.constant 0 : i32
          %dma_start3A_603 = tpu.memref_slice %arg14[%add3A_595, %dma_start3A_602] : memref<25x80xi32, #tpu.memory_space<vmem>> -> memref<1x80xi32, #tpu.memory_space<vmem>>
          %dma_start3A_604 = tpu.memref_squeeze %dma_start3A_603 : memref<1x80xi32, #tpu.memory_space<vmem>> -> memref<80xi32, #tpu.memory_space<vmem>>
          %dma_start3A_605 = arith.constant 0 : i32
          %dma_start3A_606 = arith.constant 0 : i32
          %dma_start3A_607 = tpu.memref_slice %arg4[%dma_start3A_605, %dma_start3A_606] : memref<10000x16xf32, #tpu.memory_space<hbm>> -> memref<10000x16xf32, #tpu.memory_space<hbm>>
          tpu.enqueue_indirect_dma source(%dma_start3A_607 : memref<10000x16xf32, #tpu.memory_space<hbm>>) target(%arg21 : memref<80x16xf32, #tpu.memory_space<vmem>>) offsets(%dma_start3A_604 : memref<80xi32, #tpu.memory_space<vmem>>) semaphore(%arg27 : memref<!tpu.dma_semaphore, #tpu.memory_space<semaphore_mem>>)
          %dma_start3A_608 = arith.constant 0 : i32
          %dma_start3A_609 = tpu.memref_slice %arg13[%add3A_595, %dma_start3A_608] : memref<25x80xi32, #tpu.memory_space<vmem>> -> memref<1x80xi32, #tpu.memory_space<vmem>>
          %dma_start3A_610 = tpu.memref_squeeze %dma_start3A_609 : memref<1x80xi32, #tpu.memory_space<vmem>> -> memref<80xi32, #tpu.memory_space<vmem>>
          %dma_start3A_611 = arith.constant 0 : i32
          %dma_start3A_612 = arith.constant 0 : i32
          %dma_start3A_613 = tpu.memref_slice %arg2[%dma_start3A_611, %dma_start3A_612] : memref<10000x128xf32, #tpu.memory_space<hbm>> -> memref<10000x128xf32, #tpu.memory_space<hbm>>
          tpu.enqueue_indirect_dma source(%dma_start3A_613 : memref<10000x128xf32, #tpu.memory_space<hbm>>) target(%arg19 : memref<80x128xf32, #tpu.memory_space<vmem>>) offsets(%dma_start3A_610 : memref<80xi32, #tpu.memory_space<vmem>>) semaphore(%arg28 : memref<!tpu.dma_semaphore, #tpu.memory_space<semaphore_mem>>)
        } else {
        }
      }
      %scan3A_68 = arith.constant 12 : i32
      %dma_wait3A = arith.constant 24 : i32
      %dma_wait3A_69 = arith.constant 0 : i32
      %dma_wait3A_70 = tpu.memref_slice %arg13[%dma_wait3A, %dma_wait3A_69] : memref<25x80xi32, #tpu.memory_space<vmem>> -> memref<1x80xi32, #tpu.memory_space<vmem>>
      %dma_wait3A_71 = tpu.memref_squeeze %dma_wait3A_70 : memref<1x80xi32, #tpu.memory_space<vmem>> -> memref<80xi32, #tpu.memory_space<vmem>>
      %dma_wait3A_72 = arith.constant 0 : i32
      %dma_wait3A_73 = arith.constant 0 : i32
      %dma_wait3A_74 = tpu.memref_slice %arg3[%dma_wait3A_72, %dma_wait3A_73] : memref<10000x16xf32, #tpu.memory_space<hbm>> -> memref<10000x16xf32, #tpu.memory_space<hbm>>
      tpu.wait_indirect_dma semaphore(%arg23 : memref<!tpu.dma_semaphore, #tpu.memory_space<semaphore_mem>>) src(%dma_wait3A_74 : memref<10000x16xf32, #tpu.memory_space<hbm>>) dst(%arg16 : memref<80x16xf32, #tpu.memory_space<vmem>>)
      %dma_wait3A_75 = arith.constant 24 : i32
      %dma_wait3A_76 = arith.constant 0 : i32
      %dma_wait3A_77 = tpu.memref_slice %arg14[%dma_wait3A_75, %dma_wait3A_76] : memref<25x80xi32, #tpu.memory_space<vmem>> -> memref<1x80xi32, #tpu.memory_space<vmem>>
      %dma_wait3A_78 = tpu.memref_squeeze %dma_wait3A_77 : memref<1x80xi32, #tpu.memory_space<vmem>> -> memref<80xi32, #tpu.memory_space<vmem>>
      %dma_wait3A_79 = arith.constant 0 : i32
      %dma_wait3A_80 = arith.constant 0 : i32
      %dma_wait3A_81 = tpu.memref_slice %arg4[%dma_wait3A_79, %dma_wait3A_80] : memref<10000x16xf32, #tpu.memory_space<hbm>> -> memref<10000x16xf32, #tpu.memory_space<hbm>>
      tpu.wait_indirect_dma semaphore(%arg24 : memref<!tpu.dma_semaphore, #tpu.memory_space<semaphore_mem>>) src(%dma_wait3A_81 : memref<10000x16xf32, #tpu.memory_space<hbm>>) dst(%arg17 : memref<80x16xf32, #tpu.memory_space<vmem>>)
      %dma_wait3A_82 = arith.constant 24 : i32
      %dma_wait3A_83 = arith.constant 0 : i32
      %dma_wait3A_84 = tpu.memref_slice %arg13[%dma_wait3A_82, %dma_wait3A_83] : memref<25x80xi32, #tpu.memory_space<vmem>> -> memref<1x80xi32, #tpu.memory_space<vmem>>
      %dma_wait3A_85 = tpu.memref_squeeze %dma_wait3A_84 : memref<1x80xi32, #tpu.memory_space<vmem>> -> memref<80xi32, #tpu.memory_space<vmem>>
      %dma_wait3A_86 = arith.constant 0 : i32
      %dma_wait3A_87 = arith.constant 0 : i32
      %dma_wait3A_88 = tpu.memref_slice %arg2[%dma_wait3A_86, %dma_wait3A_87] : memref<10000x128xf32, #tpu.memory_space<hbm>> -> memref<10000x128xf32, #tpu.memory_space<hbm>>
      tpu.wait_indirect_dma semaphore(%arg25 : memref<!tpu.dma_semaphore, #tpu.memory_space<semaphore_mem>>) src(%dma_wait3A_88 : memref<10000x128xf32, #tpu.memory_space<hbm>>) dst(%arg15 : memref<80x128xf32, #tpu.memory_space<vmem>>)
      %scan3A_89 = arith.constant 0 : i32
      %scan3A_90 = arith.constant 0 : i32
      %get3A = arith.index_cast %scan3A_90 : i32 to index
      %get3A_91 = arith.constant 0 : index
      %get3A_92 = tpu.vector_load %arg16[%get3A, %get3A_91] {strides = array<i32>} : memref<80x16xf32, #tpu.memory_space<vmem>>, vector<1x16xf32>,
      %get3A_93 = vector.shape_cast %get3A_92 : vector<1x16xf32> to vector<16xf32>
      %get3A_94 = arith.index_cast %scan3A_90 : i32 to index
      %get3A_95 = arith.constant 0 : index
      %get3A_96 = tpu.vector_load %arg17[%get3A_94, %get3A_95] {strides = array<i32>} : memref<80x16xf32, #tpu.memory_space<vmem>>, vector<1x16xf32>,
      %get3A_97 = vector.shape_cast %get3A_96 : vector<1x16xf32> to vector<16xf32>
      %add3A_98 = arith.addf %get3A_93, %get3A_97 : vector<16xf32>
      %mul3A_99 = arith.constant 2.000000e-01 : f32
      %mul3A_100 = vector.broadcast %mul3A_99 : f32 to vector<16xf32>
      %mul3A_101 = arith.mulf %mul3A_100, %add3A_98 : vector<16xf32>
      %max3A = arith.maximumf %add3A_98, %mul3A_101 : vector<16xf32>
      %exp3A = math.exp %max3A : vector<16xf32>
      %swap3A = arith.index_cast %scan3A_90 : i32 to index
      %swap3A_102 = arith.constant 0 : index
      %swap3A_103 = tpu.vector_load %arg18[%swap3A, %swap3A_102] {strides = array<i32>} : memref<80x16xf32, #tpu.memory_space<vmem>>, vector<1x16xf32>,
      %swap3A_104 = vector.shape_cast %swap3A_103 : vector<1x16xf32> to vector<16xf32>
      %swap3A_105 = vector.shape_cast %exp3A : vector<16xf32> to vector<1x16xf32>
      tpu.vector_store %arg18[%swap3A, %swap3A_102], %swap3A_105 {strides = array<i32>} : memref<80x16xf32, #tpu.memory_space<vmem>>, vector<1x16xf32>,
      %scan3A_106 = arith.constant 1 : i32
      %scan3A_107 = arith.constant 0 : i32
      %scan3A_108 = arith.constant 0 : i32
      %get3A_109 = arith.index_cast %scan3A_108 : i32 to index
      %get3A_110 = arith.constant 0 : index
      %get3A_111 = tpu.vector_load %arg18[%get3A_109, %get3A_110] {strides = array<i32>} : memref<80x16xf32, #tpu.memory_space<vmem>>, vector<1x16xf32>,
      %get3A_112 = vector.shape_cast %get3A_111 : vector<1x16xf32> to vector<16xf32>
      %slice3A = vector.extract_strided_slice %get3A_112 {offsets = [0], sizes = [1], strides = [1]} : vector<16xf32> to vector<1xf32>
      %squeeze3A = vector.extract %slice3A[0] : f32 from vector<1xf32>
      %broadcast_in_dim3A = vector.broadcast %squeeze3A : f32 to vector<16xf32>
      %get3A_113 = arith.index_cast %scan3A_108 : i32 to index
      %get3A_114 = arith.constant 0 : index
      %get3A_115 = tpu.vector_load %arg15[%get3A_113, %get3A_114] {strides = array<i32>} : memref<80x128xf32, #tpu.memory_space<vmem>>, vector<1x16xf32>,
      %get3A_116 = vector.shape_cast %get3A_115 : vector<1x16xf32> to vector<16xf32>
      %mul3A_117 = arith.mulf %get3A_116, %broadcast_in_dim3A : vector<16xf32>
      %swap3A_118 = arith.index_cast %scan3A_108 : i32 to index
      %swap3A_119 = arith.constant 0 : index
      %swap3A_120 = tpu.vector_load %arg15[%swap3A_118, %swap3A_119] {strides = array<i32>} : memref<80x128xf32, #tpu.memory_space<vmem>>, vector<1x16xf32>,
      %swap3A_121 = vector.shape_cast %swap3A_120 : vector<1x16xf32> to vector<16xf32>
      %swap3A_122 = vector.shape_cast %mul3A_117 : vector<16xf32> to vector<1x16xf32>
      tpu.vector_store %arg15[%swap3A_118, %swap3A_119], %swap3A_122 {strides = array<i32>} : memref<80x128xf32, #tpu.memory_space<vmem>>, vector<1x16xf32>,
      %get3A_123 = arith.index_cast %scan3A_108 : i32 to index
      %get3A_124 = arith.constant 16 : index
      %get3A_125 = tpu.vector_load %arg15[%get3A_123, %get3A_124] {strides = array<i32>} : memref<80x128xf32, #tpu.memory_space<vmem>>, vector<1x16xf32>,
      %get3A_126 = vector.shape_cast %get3A_125 : vector<1x16xf32> to vector<16xf32>
      %mul3A_127 = arith.mulf %get3A_126, %broadcast_in_dim3A : vector<16xf32>
      %swap3A_128 = arith.index_cast %scan3A_108 : i32 to index
      %swap3A_129 = arith.constant 16 : index
      %swap3A_130 = tpu.vector_load %arg15[%swap3A_128, %swap3A_129] {strides = array<i32>} : memref<80x128xf32, #tpu.memory_space<vmem>>, vector<1x16xf32>,
      %swap3A_131 = vector.shape_cast %swap3A_130 : vector<1x16xf32> to vector<16xf32>
      %swap3A_132 = vector.shape_cast %mul3A_127 : vector<16xf32> to vector<1x16xf32>
      tpu.vector_store %arg15[%swap3A_128, %swap3A_129], %swap3A_132 {strides = array<i32>} : memref<80x128xf32, #tpu.memory_space<vmem>>, vector<1x16xf32>,
      %slice3A_133 = vector.extract_strided_slice %get3A_112 {offsets = [1], sizes = [1], strides = [1]} : vector<16xf32> to vector<1xf32>
      %squeeze3A_134 = vector.extract %slice3A_133[0] : f32 from vector<1xf32>
      %broadcast_in_dim3A_135 = vector.broadcast %squeeze3A_134 : f32 to vector<16xf32>
      %get3A_136 = arith.index_cast %scan3A_108 : i32 to index
      %get3A_137 = arith.constant 32 : index
      %get3A_138 = tpu.vector_load %arg15[%get3A_136, %get3A_137] {strides = array<i32>} : memref<80x128xf32, #tpu.memory_space<vmem>>, vector<1x16xf32>,
      %get3A_139 = vector.shape_cast %get3A_138 : vector<1x16xf32> to vector<16xf32>
      %mul3A_140 = arith.mulf %get3A_139, %broadcast_in_dim3A_135 : vector<16xf32>
      %swap3A_141 = arith.index_cast %scan3A_108 : i32 to index
      %swap3A_142 = arith.constant 32 : index
      %swap3A_143 = tpu.vector_load %arg15[%swap3A_141, %swap3A_142] {strides = array<i32>} : memref<80x128xf32, #tpu.memory_space<vmem>>, vector<1x16xf32>,
      %swap3A_144 = vector.shape_cast %swap3A_143 : vector<1x16xf32> to vector<16xf32>
      %swap3A_145 = vector.shape_cast %mul3A_140 : vector<16xf32> to vector<1x16xf32>
      tpu.vector_store %arg15[%swap3A_141, %swap3A_142], %swap3A_145 {strides = array<i32>} : memref<80x128xf32, #tpu.memory_space<vmem>>, vector<1x16xf32>,
      %get3A_146 = arith.index_cast %scan3A_108 : i32 to index
      %get3A_147 = arith.constant 48 : index
      %get3A_148 = tpu.vector_load %arg15[%get3A_146, %get3A_147] {strides = array<i32>} : memref<80x128xf32, #tpu.memory_space<vmem>>, vector<1x16xf32>,
      %get3A_149 = vector.shape_cast %get3A_148 : vector<1x16xf32> to vector<16xf32>
      %mul3A_150 = arith.mulf %get3A_149, %broadcast_in_dim3A_135 : vector<16xf32>
      %swap3A_151 = arith.index_cast %scan3A_108 : i32 to index
      %swap3A_152 = arith.constant 48 : index
      %swap3A_153 = tpu.vector_load %arg15[%swap3A_151, %swap3A_152] {strides = array<i32>} : memref<80x128xf32, #tpu.memory_space<vmem>>, vector<1x16xf32>,
      %swap3A_154 = vector.shape_cast %swap3A_153 : vector<1x16xf32> to vector<16xf32>
      %swap3A_155 = vector.shape_cast %mul3A_150 : vector<16xf32> to vector<1x16xf32>
      tpu.vector_store %arg15[%swap3A_151, %swap3A_152], %swap3A_155 {strides = array<i32>} : memref<80x128xf32, #tpu.memory_space<vmem>>, vector<1x16xf32>,
      %slice3A_156 = vector.extract_strided_slice %get3A_112 {offsets = [2], sizes = [1], strides = [1]} : vector<16xf32> to vector<1xf32>
      %squeeze3A_157 = vector.extract %slice3A_156[0] : f32 from vector<1xf32>
      %broadcast_in_dim3A_158 = vector.broadcast %squeeze3A_157 : f32 to vector<16xf32>
      %get3A_159 = arith.index_cast %scan3A_108 : i32 to index
      %get3A_160 = arith.constant 64 : index
      %get3A_161 = tpu.vector_load %arg15[%get3A_159, %get3A_160] {strides = array<i32>} : memref<80x128xf32, #tpu.memory_space<vmem>>, vector<1x16xf32>,
      %get3A_162 = vector.shape_cast %get3A_161 : vector<1x16xf32> to vector<16xf32>
      %mul3A_163 = arith.mulf %get3A_162, %broadcast_in_dim3A_158 : vector<16xf32>
      %swap3A_164 = arith.index_cast %scan3A_108 : i32 to index
      %swap3A_165 = arith.constant 64 : index
      %swap3A_166 = tpu.vector_load %arg15[%swap3A_164, %swap3A_165] {strides = array<i32>} : memref<80x128xf32, #tpu.memory_space<vmem>>, vector<1x16xf32>,
      %swap3A_167 = vector.shape_cast %swap3A_166 : vector<1x16xf32> to vector<16xf32>
      %swap3A_168 = vector.shape_cast %mul3A_163 : vector<16xf32> to vector<1x16xf32>
      tpu.vector_store %arg15[%swap3A_164, %swap3A_165], %swap3A_168 {strides = array<i32>} : memref<80x128xf32, #tpu.memory_space<vmem>>, vector<1x16xf32>,
      %get3A_169 = arith.index_cast %scan3A_108 : i32 to index
      %get3A_170 = arith.constant 80 : index
      %get3A_171 = tpu.vector_load %arg15[%get3A_169, %get3A_170] {strides = array<i32>} : memref<80x128xf32, #tpu.memory_space<vmem>>, vector<1x16xf32>,
      %get3A_172 = vector.shape_cast %get3A_171 : vector<1x16xf32> to vector<16xf32>
      %mul3A_173 = arith.mulf %get3A_172, %broadcast_in_dim3A_158 : vector<16xf32>
      %swap3A_174 = arith.index_cast %scan3A_108 : i32 to index
      %swap3A_175 = arith.constant 80 : index
      %swap3A_176 = tpu.vector_load %arg15[%swap3A_174, %swap3A_175] {strides = array<i32>} : memref<80x128xf32, #tpu.memory_space<vmem>>, vector<1x16xf32>,
      %swap3A_177 = vector.shape_cast %swap3A_176 : vector<1x16xf32> to vector<16xf32>
      %swap3A_178 = vector.shape_cast %mul3A_173 : vector<16xf32> to vector<1x16xf32>
      tpu.vector_store %arg15[%swap3A_174, %swap3A_175], %swap3A_178 {strides = array<i32>} : memref<80x128xf32, #tpu.memory_space<vmem>>, vector<1x16xf32>,
      %slice3A_179 = vector.extract_strided_slice %get3A_112 {offsets = [3], sizes = [1], strides = [1]} : vector<16xf32> to vector<1xf32>
      %squeeze3A_180 = vector.extract %slice3A_179[0] : f32 from vector<1xf32>
      %broadcast_in_dim3A_181 = vector.broadcast %squeeze3A_180 : f32 to vector<16xf32>
      %get3A_182 = arith.index_cast %scan3A_108 : i32 to index
      %get3A_183 = arith.constant 96 : index
      %get3A_184 = tpu.vector_load %arg15[%get3A_182, %get3A_183] {strides = array<i32>} : memref<80x128xf32, #tpu.memory_space<vmem>>, vector<1x16xf32>,
      %get3A_185 = vector.shape_cast %get3A_184 : vector<1x16xf32> to vector<16xf32>
      %mul3A_186 = arith.mulf %get3A_185, %broadcast_in_dim3A_181 : vector<16xf32>
      %swap3A_187 = arith.index_cast %scan3A_108 : i32 to index
      %swap3A_188 = arith.constant 96 : index
      %swap3A_189 = tpu.vector_load %arg15[%swap3A_187, %swap3A_188] {strides = array<i32>} : memref<80x128xf32, #tpu.memory_space<vmem>>, vector<1x16xf32>,
      %swap3A_190 = vector.shape_cast %swap3A_189 : vector<1x16xf32> to vector<16xf32>
      %swap3A_191 = vector.shape_cast %mul3A_186 : vector<16xf32> to vector<1x16xf32>
      tpu.vector_store %arg15[%swap3A_187, %swap3A_188], %swap3A_191 {strides = array<i32>} : memref<80x128xf32, #tpu.memory_space<vmem>>, vector<1x16xf32>,
      %get3A_192 = arith.index_cast %scan3A_108 : i32 to index
      %get3A_193 = arith.constant 112 : index
      %get3A_194 = tpu.vector_load %arg15[%get3A_192, %get3A_193] {strides = array<i32>} : memref<80x128xf32, #tpu.memory_space<vmem>>, vector<1x16xf32>,
      %get3A_195 = vector.shape_cast %get3A_194 : vector<1x16xf32> to vector<16xf32>
      %mul3A_196 = arith.mulf %get3A_195, %broadcast_in_dim3A_181 : vector<16xf32>
      %swap3A_197 = arith.index_cast %scan3A_108 : i32 to index
      %swap3A_198 = arith.constant 112 : index
      %swap3A_199 = tpu.vector_load %arg15[%swap3A_197, %swap3A_198] {strides = array<i32>} : memref<80x128xf32, #tpu.memory_space<vmem>>, vector<1x16xf32>,
      %swap3A_200 = vector.shape_cast %swap3A_199 : vector<1x16xf32> to vector<16xf32>
      %swap3A_201 = vector.shape_cast %mul3A_196 : vector<16xf32> to vector<1x16xf32>
      tpu.vector_store %arg15[%swap3A_197, %swap3A_198], %swap3A_201 {strides = array<i32>} : memref<80x128xf32, #tpu.memory_space<vmem>>, vector<1x16xf32>,
      %scan3A_202 = arith.constant 1 : i32
      %dma_start3A_203 = arith.constant 24 : i32
      %dma_start3A_204 = arith.constant 0 : i32
      %dma_start3A_205 = tpu.memref_slice %arg14[%dma_start3A_203, %dma_start3A_204] : memref<25x80xi32, #tpu.memory_space<vmem>> -> memref<1x80xi32, #tpu.memory_space<vmem>>
      %dma_start3A_206 = tpu.memref_squeeze %dma_start3A_205 : memref<1x80xi32, #tpu.memory_space<vmem>> -> memref<80xi32, #tpu.memory_space<vmem>>
      %dma_start3A_207 = arith.constant 0 : i32
      %dma_start3A_208 = arith.constant 0 : i32
      %dma_start3A_209 = tpu.memref_slice %arg12[%dma_start3A_207, %dma_start3A_208] : memref<10000x16xf32, #tpu.memory_space<vmem_shared>> -> memref<10000x16xf32, #tpu.memory_space<vmem_shared>>
      tpu.enqueue_indirect_dma source(%arg18 : memref<80x16xf32, #tpu.memory_space<vmem>>) target(%dma_start3A_209 : memref<10000x16xf32, #tpu.memory_space<vmem_shared>>) offsets(%dma_start3A_206 : memref<80xi32, #tpu.memory_space<vmem>>) semaphore(%arg29 : memref<!tpu.dma_semaphore, #tpu.memory_space<semaphore_mem>>) {add = true}
      %dma_start3A_210 = arith.constant 24 : i32
      %dma_start3A_211 = arith.constant 0 : i32
      %dma_start3A_212 = tpu.memref_slice %arg14[%dma_start3A_210, %dma_start3A_211] : memref<25x80xi32, #tpu.memory_space<vmem>> -> memref<1x80xi32, #tpu.memory_space<vmem>>
      %dma_start3A_213 = tpu.memref_squeeze %dma_start3A_212 : memref<1x80xi32, #tpu.memory_space<vmem>> -> memref<80xi32, #tpu.memory_space<vmem>>
      %dma_start3A_214 = arith.constant 0 : i32
      %dma_start3A_215 = arith.constant 0 : i32
      %dma_start3A_216 = tpu.memref_slice %arg11[%dma_start3A_214, %dma_start3A_215] : memref<10000x128xf32, #tpu.memory_space<vmem_shared>> -> memref<10000x128xf32, #tpu.memory_space<vmem_shared>>
      tpu.enqueue_indirect_dma source(%arg15 : memref<80x128xf32, #tpu.memory_space<vmem>>) target(%dma_start3A_216 : memref<10000x128xf32, #tpu.memory_space<vmem_shared>>) offsets(%dma_start3A_213 : memref<80xi32, #tpu.memory_space<vmem>>) semaphore(%arg29 : memref<!tpu.dma_semaphore, #tpu.memory_space<semaphore_mem>>) {add = true}
      %dma_wait3A_217 = arith.constant 24 : i32
      %dma_wait3A_218 = arith.constant 0 : i32
      %dma_wait3A_219 = tpu.memref_slice %arg14[%dma_wait3A_217, %dma_wait3A_218] : memref<25x80xi32, #tpu.memory_space<vmem>> -> memref<1x80xi32, #tpu.memory_space<vmem>>
      %dma_wait3A_220 = tpu.memref_squeeze %dma_wait3A_219 : memref<1x80xi32, #tpu.memory_space<vmem>> -> memref<80xi32, #tpu.memory_space<vmem>>
      %dma_wait3A_221 = arith.constant 0 : i32
      %dma_wait3A_222 = arith.constant 0 : i32
      %dma_wait3A_223 = tpu.memref_slice %arg12[%dma_wait3A_221, %dma_wait3A_222] : memref<10000x16xf32, #tpu.memory_space<vmem_shared>> -> memref<10000x16xf32, #tpu.memory_space<vmem_shared>>
      tpu.wait_indirect_dma semaphore(%arg29 : memref<!tpu.dma_semaphore, #tpu.memory_space<semaphore_mem>>) src(%arg18 : memref<80x16xf32, #tpu.memory_space<vmem>>) dst(%dma_wait3A_223 : memref<10000x16xf32, #tpu.memory_space<vmem_shared>>)
      %dma_wait3A_224 = arith.constant 24 : i32
      %dma_wait3A_225 = arith.constant 0 : i32
      %dma_wait3A_226 = tpu.memref_slice %arg14[%dma_wait3A_224, %dma_wait3A_225] : memref<25x80xi32, #tpu.memory_space<vmem>> -> memref<1x80xi32, #tpu.memory_space<vmem>>
      %dma_wait3A_227 = tpu.memref_squeeze %dma_wait3A_226 : memref<1x80xi32, #tpu.memory_space<vmem>> -> memref<80xi32, #tpu.memory_space<vmem>>
      %dma_wait3A_228 = arith.constant 0 : i32
      %dma_wait3A_229 = arith.constant 0 : i32
      %dma_wait3A_230 = tpu.memref_slice %arg11[%dma_wait3A_228, %dma_wait3A_229] : memref<10000x128xf32, #tpu.memory_space<vmem_shared>> -> memref<10000x128xf32, #tpu.memory_space<vmem_shared>>
      tpu.wait_indirect_dma semaphore(%arg29 : memref<!tpu.dma_semaphore, #tpu.memory_space<semaphore_mem>>) src(%arg15 : memref<80x128xf32, #tpu.memory_space<vmem>>) dst(%dma_wait3A_230 : memref<10000x128xf32, #tpu.memory_space<vmem_shared>>)
    }
    %scan3A_9 = arith.constant 5 : i32
    %barrier3A_10 = arith.constant 0 : index
    tpu.barrier barrier_id(%barrier3A_10)
    "tpu.region"() ({
      %run_scoped3A = tpu.sem_alloc : memref<!tpu.dma_semaphore, #tpu.memory_space<semaphore_mem>>
      %dma_start3A = arith.constant 0 : i32
      %dma_start3A_16 = tpu.memref_slice %arg9[%arg0, %mul3A_2, %dma_start3A] : memref<2x10000x128xf32, #tpu.memory_space<hbm>> -> memref<1x624x128xf32, #tpu.memory_space<hbm>>
      %dma_start3A_17 = tpu.memref_squeeze %dma_start3A_16 : memref<1x624x128xf32, #tpu.memory_space<hbm>> -> memref<624x128xf32, #tpu.memory_space<hbm>>
      %dma_start3A_18 = arith.constant 0 : i32
      %dma_start3A_19 = tpu.memref_slice %arg11[%mul3A_2, %dma_start3A_18] : memref<10000x128xf32, #tpu.memory_space<vmem_shared>> -> memref<624x128xf32, #tpu.memory_space<vmem_shared>>
      tpu.enqueue_dma source(%dma_start3A_19 : memref<624x128xf32, #tpu.memory_space<vmem_shared>>) target(%dma_start3A_17 : memref<624x128xf32, #tpu.memory_space<hbm>>) target_semaphore(%run_scoped3A : memref<!tpu.dma_semaphore, #tpu.memory_space<semaphore_mem>>)
      %dma_wait3A = arith.constant 0 : i32
      %dma_wait3A_20 = tpu.memref_slice %arg9[%arg0, %mul3A_2, %dma_wait3A] : memref<2x10000x128xf32, #tpu.memory_space<hbm>> -> memref<1x624x128xf32, #tpu.memory_space<hbm>>
      %dma_wait3A_21 = tpu.memref_squeeze %dma_wait3A_20 : memref<1x624x128xf32, #tpu.memory_space<hbm>> -> memref<624x128xf32, #tpu.memory_space<hbm>>
      %dma_wait3A_22 = arith.constant 0 : i32
      %dma_wait3A_23 = tpu.memref_slice %arg11[%mul3A_2, %dma_wait3A_22] : memref<10000x128xf32, #tpu.memory_space<vmem_shared>> -> memref<624x128xf32, #tpu.memory_space<vmem_shared>>
      tpu.wait_dma2 semaphore(%run_scoped3A : memref<!tpu.dma_semaphore, #tpu.memory_space<semaphore_mem>>) src(%dma_wait3A_23 : memref<624x128xf32, #tpu.memory_space<vmem_shared>>) dst(%dma_wait3A_21 : memref<624x128xf32, #tpu.memory_space<hbm>>)
      tpu.yield
    }) : () -> ()
    "tpu.region"() ({
      %run_scoped3A = tpu.sem_alloc : memref<!tpu.dma_semaphore, #tpu.memory_space<semaphore_mem>>
      %dma_start3A = arith.constant 0 : i32
      %dma_start3A_16 = tpu.memref_slice %arg10[%arg0, %mul3A_2, %dma_start3A] : memref<2x10000x16xf32, #tpu.memory_space<hbm>> -> memref<1x624x16xf32, #tpu.memory_space<hbm>>
      %dma_start3A_17 = tpu.memref_squeeze %dma_start3A_16 : memref<1x624x16xf32, #tpu.memory_space<hbm>> -> memref<624x16xf32, #tpu.memory_space<hbm>>
      %dma_start3A_18 = arith.constant 0 : i32
      %dma_start3A_19 = tpu.memref_slice %arg12[%mul3A_2, %dma_start3A_18] : memref<10000x16xf32, #tpu.memory_space<vmem_shared>> -> memref<624x16xf32, #tpu.memory_space<vmem_shared>>
      tpu.enqueue_dma source(%dma_start3A_19 : memref<624x16xf32, #tpu.memory_space<vmem_shared>>) target(%dma_start3A_17 : memref<624x16xf32, #tpu.memory_space<hbm>>) target_semaphore(%run_scoped3A : memref<!tpu.dma_semaphore, #tpu.memory_space<semaphore_mem>>)
      %dma_wait3A = arith.constant 0 : i32
      %dma_wait3A_20 = tpu.memref_slice %arg10[%arg0, %mul3A_2, %dma_wait3A] : memref<2x10000x16xf32, #tpu.memory_space<hbm>> -> memref<1x624x16xf32, #tpu.memory_space<hbm>>
      %dma_wait3A_21 = tpu.memref_squeeze %dma_wait3A_20 : memref<1x624x16xf32, #tpu.memory_space<hbm>> -> memref<624x16xf32, #tpu.memory_space<hbm>>
      %dma_wait3A_22 = arith.constant 0 : i32
      %dma_wait3A_23 = tpu.memref_slice %arg12[%mul3A_2, %dma_wait3A_22] : memref<10000x16xf32, #tpu.memory_space<vmem_shared>> -> memref<624x16xf32, #tpu.memory_space<vmem_shared>>
      tpu.wait_dma2 semaphore(%run_scoped3A : memref<!tpu.dma_semaphore, #tpu.memory_space<semaphore_mem>>) src(%dma_wait3A_23 : memref<624x16xf32, #tpu.memory_space<vmem_shared>>) dst(%dma_wait3A_21 : memref<624x16xf32, #tpu.memory_space<hbm>>)
      tpu.yield
    }) : () -> ()
    %eq3A_11 = arith.constant 0 : i32
    %eq3A_12 = arith.cmpi eq, %arg1, %eq3A_11 : i32
    %convert_element_type3A_13 = arith.extui %eq3A_12 : i1 to i32
    %cond3A_14 = arith.constant 0 : i32
    %cond3A_15 = arith.cmpi ne, %convert_element_type3A_13, %cond3A_14 : i32
    scf.if %cond3A_15 {
      "tpu.region"() ({
        %run_scoped3A = tpu.sem_alloc : memref<!tpu.dma_semaphore, #tpu.memory_space<semaphore_mem>>
        %dma_start3A = arith.constant 9984 : i32
        %dma_start3A_16 = arith.constant 0 : i32
        %dma_start3A_17 = tpu.memref_slice %arg9[%arg0, %dma_start3A, %dma_start3A_16] : memref<2x10000x128xf32, #tpu.memory_space<hbm>> -> memref<1x16x128xf32, #tpu.memory_space<hbm>>
        %dma_start3A_18 = tpu.memref_squeeze %dma_start3A_17 : memref<1x16x128xf32, #tpu.memory_space<hbm>> -> memref<16x128xf32, #tpu.memory_space<hbm>>
        %dma_start3A_19 = arith.constant 9984 : i32
        %dma_start3A_20 = arith.constant 0 : i32
        %dma_start3A_21 = tpu.memref_slice %arg11[%dma_start3A_19, %dma_start3A_20] : memref<10000x128xf32, #tpu.memory_space<vmem_shared>> -> memref<16x128xf32, #tpu.memory_space<vmem_shared>>
        tpu.enqueue_dma source(%dma_start3A_21 : memref<16x128xf32, #tpu.memory_space<vmem_shared>>) target(%dma_start3A_18 : memref<16x128xf32, #tpu.memory_space<hbm>>) target_semaphore(%run_scoped3A : memref<!tpu.dma_semaphore, #tpu.memory_space<semaphore_mem>>)
        %dma_wait3A = arith.constant 9984 : i32
        %dma_wait3A_22 = arith.constant 0 : i32
        %dma_wait3A_23 = tpu.memref_slice %arg9[%arg0, %dma_wait3A, %dma_wait3A_22] : memref<2x10000x128xf32, #tpu.memory_space<hbm>> -> memref<1x16x128xf32, #tpu.memory_space<hbm>>
        %dma_wait3A_24 = tpu.memref_squeeze %dma_wait3A_23 : memref<1x16x128xf32, #tpu.memory_space<hbm>> -> memref<16x128xf32, #tpu.memory_space<hbm>>
        %dma_wait3A_25 = arith.constant 9984 : i32
        %dma_wait3A_26 = arith.constant 0 : i32
        %dma_wait3A_27 = tpu.memref_slice %arg11[%dma_wait3A_25, %dma_wait3A_26] : memref<10000x128xf32, #tpu.memory_space<vmem_shared>> -> memref<16x128xf32, #tpu.memory_space<vmem_shared>>
        tpu.wait_dma2 semaphore(%run_scoped3A : memref<!tpu.dma_semaphore, #tpu.memory_space<semaphore_mem>>) src(%dma_wait3A_27 : memref<16x128xf32, #tpu.memory_space<vmem_shared>>) dst(%dma_wait3A_24 : memref<16x128xf32, #tpu.memory_space<hbm>>)
        tpu.yield
      }) : () -> ()
      "tpu.region"() ({
        %run_scoped3A = tpu.sem_alloc : memref<!tpu.dma_semaphore, #tpu.memory_space<semaphore_mem>>
        %dma_start3A = arith.constant 9984 : i32
        %dma_start3A_16 = arith.constant 0 : i32
        %dma_start3A_17 = tpu.memref_slice %arg10[%arg0, %dma_start3A, %dma_start3A_16] : memref<2x10000x16xf32, #tpu.memory_space<hbm>> -> memref<1x16x16xf32, #tpu.memory_space<hbm>>
        %dma_start3A_18 = tpu.memref_squeeze %dma_start3A_17 : memref<1x16x16xf32, #tpu.memory_space<hbm>> -> memref<16x16xf32, #tpu.memory_space<hbm>>
        %dma_start3A_19 = arith.constant 9984 : i32
        %dma_start3A_20 = arith.constant 0 : i32
        %dma_start3A_21 = tpu.memref_slice %arg12[%dma_start3A_19, %dma_start3A_20] : memref<10000x16xf32, #tpu.memory_space<vmem_shared>> -> memref<16x16xf32, #tpu.memory_space<vmem_shared>>
        tpu.enqueue_dma source(%dma_start3A_21 : memref<16x16xf32, #tpu.memory_space<vmem_shared>>) target(%dma_start3A_18 : memref<16x16xf32, #tpu.memory_space<hbm>>) target_semaphore(%run_scoped3A : memref<!tpu.dma_semaphore, #tpu.memory_space<semaphore_mem>>)
        %dma_wait3A = arith.constant 9984 : i32
        %dma_wait3A_22 = arith.constant 0 : i32
        %dma_wait3A_23 = tpu.memref_slice %arg10[%arg0, %dma_wait3A, %dma_wait3A_22] : memref<2x10000x16xf32, #tpu.memory_space<hbm>> -> memref<1x16x16xf32, #tpu.memory_space<hbm>>
        %dma_wait3A_24 = tpu.memref_squeeze %dma_wait3A_23 : memref<1x16x16xf32, #tpu.memory_space<hbm>> -> memref<16x16xf32, #tpu.memory_space<hbm>>
        %dma_wait3A_25 = arith.constant 9984 : i32
        %dma_wait3A_26 = arith.constant 0 : i32
        %dma_wait3A_27 = tpu.memref_slice %arg12[%dma_wait3A_25, %dma_wait3A_26] : memref<10000x16xf32, #tpu.memory_space<vmem_shared>> -> memref<16x16xf32, #tpu.memory_space<vmem_shared>>
        tpu.wait_dma2 semaphore(%run_scoped3A : memref<!tpu.dma_semaphore, #tpu.memory_space<semaphore_mem>>) src(%dma_wait3A_27 : memref<16x16xf32, #tpu.memory_space<vmem_shared>>) dst(%dma_wait3A_24 : memref<16x16xf32, #tpu.memory_space<hbm>>)
        tpu.yield
      }) : () -> ()
    } else {
    }
    return
  }
}

module attributes {stable_mosaic.version = 14 : i64} {
  func.func @_tc_proj_body(%arg0: i32, %arg1: memref<2000x128xf32, #tpu.memory_space<vmem>>, %arg2: memref<128x128xf32, #tpu.memory_space<vmem>>, %arg3: memref<128x32xf32, #tpu.memory_space<vmem>>, %arg4: memref<2000x128xf32, #tpu.memory_space<vmem>>, %arg5: memref<2000x16xf32, #tpu.memory_space<vmem>>, %arg6: memref<2000x16xf32, #tpu.memory_space<vmem>>) attributes {dimension_semantics = [#tpu.dimension_semantics<arbitrary>], iteration_bounds = array<i64: 5>, scalar_prefetch = 0 : i64, scratch_operands = 0 : i64, tpu.core_type = #tpu.core_type<tc>, window_params = [{transform_indices = @transform_0, window_bounds = array<i64: 2000, 128>}, {pipeline_mode = #tpu.pipeline_mode<synchronous>, transform_indices = @transform_1, window_bounds = array<i64: 128, 128>}, {pipeline_mode = #tpu.pipeline_mode<synchronous>, transform_indices = @transform_2, window_bounds = array<i64: 128, 32>}, {transform_indices = @transform_3, window_bounds = array<i64: 2000, 128>}, {transform_indices = @transform_4, window_bounds = array<i64: 2000, 16>}, {transform_indices = @transform_5, window_bounds = array<i64: 2000, 16>}]} {
    %get3A = arith.constant 0 : index
    %get3A_0 = arith.constant 0 : index
    %get3A_1 = vector.load %arg1[%get3A, %get3A_0] : memref<2000x128xf32, #tpu.memory_space<vmem>>, vector<2000x128xf32>
    %get3A_2 = arith.constant 0 : index
    %get3A_3 = arith.constant 0 : index
    %get3A_4 = vector.load %arg2[%get3A_2, %get3A_3] : memref<128x128xf32, #tpu.memory_space<vmem>>, vector<128x128xf32>
    %dot_general3A = arith.constant dense<0.000000e+00> : vector<2000x128xf32>
    %dot_general3A_5 = tpu.matmul %get3A_1, %get3A_4, %dot_general3A {dimension_numbers = #tpu.dot_dimension_numbers<[1], [0], [0], [1], [0, 0, 1, 1], [], []>, transpose_lhs_hint = false} : vector<2000x128xf32>, vector<128x128xf32>, vector<2000x128xf32> -> vector<2000x128xf32>
    %swap3A = arith.constant 0 : index
    %swap3A_6 = arith.constant 0 : index
    %swap3A_7 = vector.load %arg4[%swap3A, %swap3A_6] : memref<2000x128xf32, #tpu.memory_space<vmem>>, vector<2000x128xf32>
    tpu.vector_store %arg4[%swap3A, %swap3A_6], %dot_general3A_5 {strides = array<i32>} : memref<2000x128xf32, #tpu.memory_space<vmem>>, vector<2000x128xf32>,
    %get3A_8 = arith.constant 0 : index
    %get3A_9 = arith.constant 0 : index
    %get3A_10 = vector.load %arg3[%get3A_8, %get3A_9] : memref<128x32xf32, #tpu.memory_space<vmem>>, vector<128x32xf32>
    %slice3A = vector.extract_strided_slice %get3A_10 {offsets = [0, 0], sizes = [128, 16], strides = [1, 1]} : vector<128x32xf32> to vector<128x16xf32>
    %dot_general3A_11 = arith.constant dense<0.000000e+00> : vector<2000x16xf32>
    %dot_general3A_12 = tpu.matmul %dot_general3A_5, %slice3A, %dot_general3A_11 {dimension_numbers = #tpu.dot_dimension_numbers<[1], [0], [0], [1], [0, 0, 1, 1], [], []>, transpose_lhs_hint = false} : vector<2000x128xf32>, vector<128x16xf32>, vector<2000x16xf32> -> vector<2000x16xf32>
    %swap3A_13 = arith.constant 0 : index
    %swap3A_14 = arith.constant 0 : index
    %swap3A_15 = vector.load %arg5[%swap3A_13, %swap3A_14] : memref<2000x16xf32, #tpu.memory_space<vmem>>, vector<2000x16xf32>
    tpu.vector_store %arg5[%swap3A_13, %swap3A_14], %dot_general3A_12 {strides = array<i32>} : memref<2000x16xf32, #tpu.memory_space<vmem>>, vector<2000x16xf32>,
    %slice3A_16 = vector.extract_strided_slice %get3A_10 {offsets = [0, 16], sizes = [128, 16], strides = [1, 1]} : vector<128x32xf32> to vector<128x16xf32>
    %dot_general3A_17 = arith.constant dense<0.000000e+00> : vector<2000x16xf32>
    %dot_general3A_18 = tpu.matmul %dot_general3A_5, %slice3A_16, %dot_general3A_17 {dimension_numbers = #tpu.dot_dimension_numbers<[1], [0], [0], [1], [0, 0, 1, 1], [], []>, transpose_lhs_hint = false} : vector<2000x128xf32>, vector<128x16xf32>, vector<2000x16xf32> -> vector<2000x16xf32>
    %swap3A_19 = arith.constant 0 : index
    %swap3A_20 = arith.constant 0 : index
    %swap3A_21 = vector.load %arg6[%swap3A_19, %swap3A_20] : memref<2000x16xf32, #tpu.memory_space<vmem>>, vector<2000x16xf32>
    tpu.vector_store %arg6[%swap3A_19, %swap3A_20], %dot_general3A_18 {strides = array<i32>} : memref<2000x16xf32, #tpu.memory_space<vmem>>, vector<2000x16xf32>,
    return
  }
  func.func @transform_0(%arg0: i32) -> (i32, i32) {
    %c0_i32 = arith.constant 0 : i32
    %c0_i32_0 = arith.constant 0 : i32
    return %arg0, %c0_i32 : i32, i32
  }
  func.func @transform_1(%arg0: i32) -> (i32, i32) {
    %c0_i32 = arith.constant 0 : i32
    %c0_i32_0 = arith.constant 0 : i32
    %c0_i32_1 = arith.constant 0 : i32
    return %c0_i32, %c0_i32_0 : i32, i32
  }
  func.func @transform_2(%arg0: i32) -> (i32, i32) {
    %c0_i32 = arith.constant 0 : i32
    %c0_i32_0 = arith.constant 0 : i32
    %c0_i32_1 = arith.constant 0 : i32
    return %c0_i32, %c0_i32_0 : i32, i32
  }
  func.func @transform_3(%arg0: i32) -> (i32, i32) {
    %c0_i32 = arith.constant 0 : i32
    %c0_i32_0 = arith.constant 0 : i32
    return %arg0, %c0_i32 : i32, i32
  }
  func.func @transform_4(%arg0: i32) -> (i32, i32) {
    %c0_i32 = arith.constant 0 : i32
    %c0_i32_0 = arith.constant 0 : i32
    return %arg0, %c0_i32 : i32, i32
  }
  func.func @transform_5(%arg0: i32) -> (i32, i32) {
    %c0_i32 = arith.constant 0 : i32
    %c0_i32_0 = arith.constant 0 : i32
    return %arg0, %c0_i32 : i32, i32
  }
}

module attributes {stable_mosaic.version = 14 : i64} {
  func.func @_tc_final_body(%arg0: i32, %arg1: memref<2x2000x128xf32, #tpu.memory_space<vmem>>, %arg2: memref<2x2000x16xf32, #tpu.memory_space<vmem>>, %arg3: memref<2000x128xf32, #tpu.memory_space<vmem>>, %arg4: memref<1x128xf32, #tpu.memory_space<vmem>>, %arg5: memref<1x128xf32, #tpu.memory_space<vmem>>, %arg6: memref<1x128xf32, #tpu.memory_space<vmem>>, %arg7: memref<16x128xf32, #tpu.memory_space<vmem>>, %arg8: memref<2000x128xf32, #tpu.memory_space<vmem>>) attributes {dimension_semantics = [#tpu.dimension_semantics<arbitrary>], iteration_bounds = array<i64: 5>, scalar_prefetch = 0 : i64, scratch_operands = 0 : i64, tpu.core_type = #tpu.core_type<tc>, window_params = [{transform_indices = @transform_0, window_bounds = array<i64: 2, 2000, 128>}, {transform_indices = @transform_1, window_bounds = array<i64: 2, 2000, 16>}, {transform_indices = @transform_2, window_bounds = array<i64: 2000, 128>}, {pipeline_mode = #tpu.pipeline_mode<synchronous>, transform_indices = @transform_3, window_bounds = array<i64: 1, 128>}, {pipeline_mode = #tpu.pipeline_mode<synchronous>, transform_indices = @transform_4, window_bounds = array<i64: 1, 128>}, {pipeline_mode = #tpu.pipeline_mode<synchronous>, transform_indices = @transform_5, window_bounds = array<i64: 1, 128>}, {pipeline_mode = #tpu.pipeline_mode<synchronous>, transform_indices = @transform_6, window_bounds = array<i64: 16, 128>}, {transform_indices = @transform_7, window_bounds = array<i64: 2000, 128>}]} {
    %get3A = arith.constant 0 : index
    %get3A_0 = arith.constant 0 : index
    %get3A_1 = arith.constant 0 : index
    %get3A_2 = vector.load %arg1[%get3A, %get3A_0, %get3A_1] : memref<2x2000x128xf32, #tpu.memory_space<vmem>>, vector<1x2000x128xf32>
    %get3A_3 = vector.shape_cast %get3A_2 : vector<1x2000x128xf32> to vector<2000x128xf32>
    %get3A_4 = arith.constant 1 : index
    %get3A_5 = arith.constant 0 : index
    %get3A_6 = arith.constant 0 : index
    %get3A_7 = vector.load %arg1[%get3A_4, %get3A_5, %get3A_6] : memref<2x2000x128xf32, #tpu.memory_space<vmem>>, vector<1x2000x128xf32>
    %get3A_8 = vector.shape_cast %get3A_7 : vector<1x2000x128xf32> to vector<2000x128xf32>
    %add3A = arith.addf %get3A_3, %get3A_8 : vector<2000x128xf32>
    %get3A_9 = arith.constant 0 : index
    %get3A_10 = arith.constant 0 : index
    %get3A_11 = arith.constant 0 : index
    %get3A_12 = vector.load %arg2[%get3A_9, %get3A_10, %get3A_11] : memref<2x2000x16xf32, #tpu.memory_space<vmem>>, vector<1x2000x16xf32>
    %get3A_13 = vector.shape_cast %get3A_12 : vector<1x2000x16xf32> to vector<2000x16xf32>
    %get3A_14 = arith.constant 1 : index
    %get3A_15 = arith.constant 0 : index
    %get3A_16 = arith.constant 0 : index
    %get3A_17 = vector.load %arg2[%get3A_14, %get3A_15, %get3A_16] : memref<2x2000x16xf32, #tpu.memory_space<vmem>>, vector<1x2000x16xf32>
    %get3A_18 = vector.shape_cast %get3A_17 : vector<1x2000x16xf32> to vector<2000x16xf32>
    %add3A_19 = arith.addf %get3A_13, %get3A_18 : vector<2000x16xf32>
    %add3A_20 = arith.constant 1.000000e-16 : f32
    %add3A_21 = vector.broadcast %add3A_20 : f32 to vector<2000x16xf32>
    %add3A_22 = arith.addf %add3A_19, %add3A_21 : vector<2000x16xf32>
    %div3A = arith.constant 1.000000e+00 : f32
    %div3A_23 = vector.broadcast %div3A : f32 to vector<2000x16xf32>
    %div3A_24 = arith.divf %div3A_23, %add3A_22 : vector<2000x16xf32>
    %get3A_25 = arith.constant 0 : index
    %get3A_26 = arith.constant 0 : index
    %get3A_27 = vector.load %arg7[%get3A_25, %get3A_26] : memref<16x128xf32, #tpu.memory_space<vmem>>, vector<16x128xf32>
    %dot_general3A = arith.constant dense<0.000000e+00> : vector<2000x128xf32>
    %dot_general3A_28 = tpu.matmul %div3A_24, %get3A_27, %dot_general3A {dimension_numbers = #tpu.dot_dimension_numbers<[1], [0], [0], [1], [0, 0, 1, 1], [], []>, transpose_lhs_hint = false} : vector<2000x16xf32>, vector<16x128xf32>, vector<2000x128xf32> -> vector<2000x128xf32>
    %mul3A = arith.mulf %add3A, %dot_general3A_28 : vector<2000x128xf32>
    %get3A_29 = arith.constant 0 : index
    %get3A_30 = arith.constant 0 : index
    %get3A_31 = vector.load %arg4[%get3A_29, %get3A_30] : memref<1x128xf32, #tpu.memory_space<vmem>>, vector<1x128xf32>
    %add3A_32 = vector.broadcast %get3A_31 : vector<1x128xf32> to vector<2000x128xf32>
    %add3A_33 = arith.addf %mul3A, %add3A_32 : vector<2000x128xf32>
    %max3A = arith.constant 0.000000e+00 : f32
    %max3A_34 = vector.broadcast %max3A : f32 to vector<2000x128xf32>
    %max3A_35 = arith.maximumf %add3A_33, %max3A_34 : vector<2000x128xf32>
    %get3A_36 = arith.constant 0 : index
    %get3A_37 = arith.constant 0 : index
    %get3A_38 = vector.load %arg3[%get3A_36, %get3A_37] : memref<2000x128xf32, #tpu.memory_space<vmem>>, vector<2000x128xf32>
    %add3A_39 = arith.addf %max3A_35, %get3A_38 : vector<2000x128xf32>
    %reduce_sum3A = arith.constant dense<0.000000e+00> : vector<2000xf32>
    %reduce_sum3A_40 = vector.multi_reduction <add>, %add3A_39, %reduce_sum3A [1] : vector<2000x128xf32> to vector<2000xf32>
    %broadcast_in_dim3A = vector.shape_cast %reduce_sum3A_40 : vector<2000xf32> to vector<2000x1xf32>
    %div3A_41 = arith.constant 1.280000e+02 : f32
    %div3A_42 = vector.broadcast %div3A_41 : f32 to vector<2000x1xf32>
    %div3A_43 = arith.divf %broadcast_in_dim3A, %div3A_42 : vector<2000x1xf32>
    %sub3A = vector.broadcast %div3A_43 : vector<2000x1xf32> to vector<2000x128xf32>
    %sub3A_44 = arith.subf %add3A_39, %sub3A : vector<2000x128xf32>
    %sub3A_45 = vector.broadcast %div3A_43 : vector<2000x1xf32> to vector<2000x128xf32>
    %sub3A_46 = arith.subf %add3A_39, %sub3A_45 : vector<2000x128xf32>
    %mul3A_47 = arith.mulf %sub3A_44, %sub3A_46 : vector<2000x128xf32>
    %reduce_sum3A_48 = arith.constant dense<0.000000e+00> : vector<2000xf32>
    %reduce_sum3A_49 = vector.multi_reduction <add>, %mul3A_47, %reduce_sum3A_48 [1] : vector<2000x128xf32> to vector<2000xf32>
    %broadcast_in_dim3A_50 = vector.shape_cast %reduce_sum3A_49 : vector<2000xf32> to vector<2000x1xf32>
    %div3A_51 = arith.constant 1.280000e+02 : f32
    %div3A_52 = vector.broadcast %div3A_51 : f32 to vector<2000x1xf32>
    %div3A_53 = arith.divf %broadcast_in_dim3A_50, %div3A_52 : vector<2000x1xf32>
    %sub3A_54 = vector.broadcast %div3A_43 : vector<2000x1xf32> to vector<2000x128xf32>
    %sub3A_55 = arith.subf %add3A_39, %sub3A_54 : vector<2000x128xf32>
    %add3A_56 = arith.constant 9.99999974E-6 : f32
    %add3A_57 = vector.broadcast %add3A_56 : f32 to vector<2000x1xf32>
    %add3A_58 = arith.addf %div3A_53, %add3A_57 : vector<2000x1xf32>
    %rsqrt3A = math.rsqrt %add3A_58 : vector<2000x1xf32>
    %mul3A_59 = vector.broadcast %rsqrt3A : vector<2000x1xf32> to vector<2000x128xf32>
    %mul3A_60 = arith.mulf %sub3A_55, %mul3A_59 : vector<2000x128xf32>
    %get3A_61 = arith.constant 0 : index
    %get3A_62 = arith.constant 0 : index
    %get3A_63 = vector.load %arg5[%get3A_61, %get3A_62] : memref<1x128xf32, #tpu.memory_space<vmem>>, vector<1x128xf32>
    %mul3A_64 = vector.broadcast %get3A_63 : vector<1x128xf32> to vector<2000x128xf32>
    %mul3A_65 = arith.mulf %mul3A_60, %mul3A_64 : vector<2000x128xf32>
    %get3A_66 = arith.constant 0 : index
    %get3A_67 = arith.constant 0 : index
    %get3A_68 = vector.load %arg6[%get3A_66, %get3A_67] : memref<1x128xf32, #tpu.memory_space<vmem>>, vector<1x128xf32>
    %add3A_69 = vector.broadcast %get3A_68 : vector<1x128xf32> to vector<2000x128xf32>
    %add3A_70 = arith.addf %mul3A_65, %add3A_69 : vector<2000x128xf32>
    %swap3A = arith.constant 0 : index
    %swap3A_71 = arith.constant 0 : index
    %swap3A_72 = vector.load %arg8[%swap3A, %swap3A_71] : memref<2000x128xf32, #tpu.memory_space<vmem>>, vector<2000x128xf32>
    tpu.vector_store %arg8[%swap3A, %swap3A_71], %add3A_70 {strides = array<i32>} : memref<2000x128xf32, #tpu.memory_space<vmem>>, vector<2000x128xf32>,
    return
  }
  func.func @transform_0(%arg0: i32) -> (i32, i32, i32) {
    %c0_i32 = arith.constant 0 : i32
    %c0_i32_0 = arith.constant 0 : i32
    %c0_i32_1 = arith.constant 0 : i32
    return %c0_i32, %arg0, %c0_i32_0 : i32, i32, i32
  }
  func.func @transform_1(%arg0: i32) -> (i32, i32, i32) {
    %c0_i32 = arith.constant 0 : i32
    %c0_i32_0 = arith.constant 0 : i32
    %c0_i32_1 = arith.constant 0 : i32
    return %c0_i32, %arg0, %c0_i32_0 : i32, i32, i32
  }
  func.func @transform_2(%arg0: i32) -> (i32, i32) {
    %c0_i32 = arith.constant 0 : i32
    %c0_i32_0 = arith.constant 0 : i32
    return %arg0, %c0_i32 : i32, i32
  }
  func.func @transform_3(%arg0: i32) -> (i32, i32) {
    %c0_i32 = arith.constant 0 : i32
    %c0_i32_0 = arith.constant 0 : i32
    %c0_i32_1 = arith.constant 0 : i32
    return %c0_i32, %c0_i32_0 : i32, i32
  }
  func.func @transform_4(%arg0: i32) -> (i32, i32) {
    %c0_i32 = arith.constant 0 : i32
    %c0_i32_0 = arith.constant 0 : i32
    %c0_i32_1 = arith.constant 0 : i32
    return %c0_i32, %c0_i32_0 : i32, i32
  }
  func.func @transform_5(%arg0: i32) -> (i32, i32) {
    %c0_i32 = arith.constant 0 : i32
    %c0_i32_0 = arith.constant 0 : i32
    %c0_i32_1 = arith.constant 0 : i32
    return %c0_i32, %c0_i32_0 : i32, i32
  }
  func.func @transform_6(%arg0: i32) -> (i32, i32) {
    %c0_i32 = arith.constant 0 : i32
    %c0_i32_0 = arith.constant 0 : i32
    %c0_i32_1 = arith.constant 0 : i32
    return %c0_i32, %c0_i32_0 : i32, i32
  }
  func.func @transform_7(%arg0: i32) -> (i32, i32) {
    %c0_i32 = arith.constant 0 : i32
    %c0_i32_0 = arith.constant 0 : i32
    return %arg0, %c0_i32 : i32, i32
  }
}

</mosaic_0001>

<sc_bundles>
// kernel: kernel.5.cloned.1.call-start
scs
__scs_entry_jumppad:
0x0: {  	(pc) =	sbr.rel $0x88, $3  }
0x1: {  	(tag) =	ssettag $0x0;
	lr =	simm.s32 $0x1  }
0x2: {  	[smem:$0x3F99] =	sst lr;
	_ =	strace $0xD0000000  }
0x3: {  	_ = 	snop  }
0x4: {  	_ = 	snop  }
0x5: {  	_ = 	snop  }
0x6: {  	_ = 	snop  }
0x7: {  	_ = 	snop  }
__scs_overlays_trampoline_lowered:
0x8: {  	[smem:$0x3FA8] =	sst s0  }
0x9: {  	[smem:$0x3FA9] =	sst s1  }
0xa: {  	[smem:$0x3FAA] =	sst s2  }
0xb: {  	[smem:$0x3FAB] =	sst s3  }
0xc: {  	[smem:$0x3FAC] =	sst s4  }
0xd: {  	[smem:$0x3FAD] =	sst s5  }
0xe: {  	[smem:$0x3FAE] =	sst s6  }
0xf: {  	[smem:$0x3FAF] =	sst s7  }
0x10: {  	[smem:$0x3FB0] =	sst s8  }
0x11: {  	[smem:$0x3FB1] =	sst s9;
	s0 =	simm.s32 @!p0 $0x0  }
0x12: {  	s1 =	sld [smem:$0x3F97];
	s0 =	simm.s32 @p0 $0x1  }
0x13: {  	[smem:$0x3FB2] =	sst s0;
	s0 =	simm.s32 @!p1 $0x0  }
0x14: {  	s2 =	sld [smem:$0x3F96];
	s0 =	simm.s32 @p1 $0x1  }
0x15: {  	[smem:$0x3FB3] =	sst s0;
	s0 =	simm.s32 @!p2 $0x0  }
0x16: {  	s3 =	sld [smem:$0x3FDB];
	s0 =	simm.s32 @p2 $0x1  }
0x17: {  	s4 =	simm.s32 $0x1BF5;
	[smem:$0x3FB5] =	sst s0  }
0x18: {  	s0 =	sld [smem:$0x3F98];
	_ =	swait.ge [sflag:s4], $0x0  }
0x19: {  	s7 =	sld [smem:$0x3F99]  }
0x1a: {  	s8 =	sadd.s32 $0xFFFFE003, lr  }
0x1b: {  	s9 =	sadd.s32 $0xFFFFFEF7, lr;
	s5 =	simm.s32 $0xFFFFFFFF;
	p2 =	slt.u32 s8, $0xFFFFF086  }
0x1c: {  	p1 =	slt.u32 s9, $0xF7A;
	s5 =	simm.s32 @!p2 $0x0  }
0x1d: {  	s5 =	simm.s32 @p1 $0x1;
	p0 =	seq.s32 s7, s2  }
0x1e: {  	s7 =	smul.u32 @!p0 $0xF7A, s2;
	p2 =	seq.s32 @!p0 s5, $0x0  }
0x1f: {  	s9 =	smul.u32 $0xF7A, s1;
	s8 =	simm.s32 @!p0 $0x1BF5;
	p2 =	por !p2, p0  }
0x20: {  	[sflag:s8] =	ssyncset.s32 @!p0 $0xFFFFF086;
	s6 =	sadd.s32 @!p0 s3, s7;
	s7 =	simm.s32 @!p0 $0x108  }
0x21: {  	s3 =	sadd.s32 s3, s9;
	s6 =	sadd.s32 @!p0 $0x88, s6;
	s7 =	simm.s32 @p2 $0x1082  }
0x22: {  	[simem:s7], [sflag:s8] =	dma.local @!p0 [hbm:s6], $0xF7A  }
0x23: {  	s9 =	sor.u32 $0xD0000000, s2;
	s6 =	simm.s32 $0x108;
	_ =	swait.ge @!p0 [sflag:s8], $0x0  }
0x24: {  	s3 =	sadd.s32 $0x88, s3;
	s6 =	simm.s32 @!p1 $0x1082;
	[sflag:s4] =	ssyncset.s32 $0xFFFFF086  }
0x25: {  	[simem:s6], [sflag:s4] =	dma.local [hbm:s3], $0xF7A  }
0x26: {  	[smem:$0x3F99] =	sst s1;
	(tag) =	ssettag s2;
	_ =	strace s9  }
0x27: {  	s1 =	sld [smem:$0x3FA9]  }
0x28: {  	s2 =	sld [smem:$0x3FAA]  }
0x29: {  	s4 =	sld [smem:$0x3FAC]  }
0x2a: {  	p0 =	seq.s32 s5, $0x0;
	s5 =	sld [smem:$0x3FAD]  }
0x2b: {  	s6 =	sld [smem:$0x3FAE]  }
0x2c: {  	s7 =	sld [smem:$0x3FAF]  }
0x2d: {  	s3 =	simm.s32 $0x108;
	s8 =	sld [smem:$0x3FB0]  }
0x2e: {  	s3 =	simm.s32 @!p0 $0x1082;
	s9 =	sld [smem:$0x3FB1]  }
0x2f: {  	lr =	sadd.s32 s0, s3;
	s0 =	sld [smem:$0x3FA8]  }
0x30: {  	s3 =	sld [smem:$0x3FAB]  }
0x31: {  	[smem:$0x3FB4] =	sst s10  }
0x32: {  	s10 =	sld [smem:$0x3FB2];
	_ =	sdelay $0x3  }
0x33: {  	p0 =	seq.s32 s10, $0x1;
	s10 =	sld [smem:$0x3FB4];
	_ =	sdelay $0x3  }
0x34: {  	[smem:$0x3FB4] =	sst s10  }
0x35: {  	s10 =	sld [smem:$0x3FB3];
	_ =	sdelay $0x3  }
0x36: {  	p1 =	seq.s32 s10, $0x1;
	s10 =	sld [smem:$0x3FB4];
	_ =	sdelay $0x3  }
0x37: {  	[smem:$0x3FB4] =	sst s10  }
0x38: {  	s10 =	sld [smem:$0x3FB5]  }
0x39: {  	_ = 	snop;
	(pc) =	sbr.ind lr, $3  }
0x3a: {  	_ = 	snop  }
0x3b: {  	_ = 	snop  }
0x3c: {  	p2 =	seq.s32 s10, $0x1;
	s10 =	sld [smem:$0x3FB4]  }
0x3d: {  	_ =	shalt  }
0x3e: {  	_ =	shalt  }
0x3f: {  	_ =	shalt  }
0x40: {  	_ =	shalt  }
0x41: {  	_ =	shalt  }
0x42: {  	_ =	shalt  }
0x43: {  	_ =	shalt  }
0x44: {  	_ =	shalt  }
0x45: {  	_ =	shalt  }
0x46: {  	_ =	shalt  }
0x47: {  	_ =	shalt  }
0x48: {  	_ =	shalt  }
0x49: {  	_ =	shalt  }
0x4a: {  	_ =	shalt  }
0x4b: {  	_ =	shalt  }
0x4c: {  	_ =	shalt  }
0x4d: {  	_ =	shalt  }
0x4e: {  	_ =	shalt  }
0x4f: {  	_ =	shalt  }
0x50: {  	_ =	shalt  }
0x51: {  	_ =	shalt  }
0x52: {  	_ =	shalt  }
0x53: {  	_ =	shalt  }
0x54: {  	_ =	shalt  }
0x55: {  	_ =	shalt  }
0x56: {  	_ =	shalt  }
0x57: {  	_ =	shalt  }
0x58: {  	_ =	shalt  }
0x59: {  	_ =	shalt  }
0x5a: {  	_ =	shalt  }
0x5b: {  	_ =	shalt  }
0x5c: {  	_ =	shalt  }
0x5d: {  	_ =	shalt  }
0x5e: {  	_ =	shalt  }
0x5f: {  	_ =	shalt  }
0x60: {  	_ =	shalt  }
0x61: {  	_ =	shalt  }
0x62: {  	_ =	shalt  }
0x63: {  	_ =	shalt  }
0x64: {  	_ =	shalt  }
0x65: {  	_ =	shalt  }
0x66: {  	_ =	shalt  }
0x67: {  	_ =	shalt  }
0x68: {  	_ =	shalt  }
0x69: {  	_ =	shalt  }
0x6a: {  	_ =	shalt  }
0x6b: {  	_ =	shalt  }
0x6c: {  	_ =	shalt  }
0x6d: {  	_ =	shalt  }
0x6e: {  	_ =	shalt  }
0x6f: {  	_ =	shalt  }
0x70: {  	_ =	shalt  }
0x71: {  	_ =	shalt  }
0x72: {  	_ =	shalt  }
0x73: {  	_ =	shalt  }
0x74: {  	_ =	shalt  }
0x75: {  	_ =	shalt  }
0x76: {  	_ =	shalt  }
0x77: {  	_ =	shalt  }
0x78: {  	_ =	shalt  }
0x79: {  	_ =	shalt  }
0x7a: {  	_ =	shalt  }
0x7b: {  	_ =	shalt  }
0x7c: {  	_ =	shalt  }
0x7d: {  	_ =	shalt  }
0x7e: {  	_ =	shalt  }
0x7f: {  	_ =	shalt  }
0x80: {  	_ =	shalt  }
0x81: {  	_ =	shalt  }
0x82: {  	_ =	shalt  }
0x83: {  	_ =	shalt  }
0x84: {  	_ =	shalt  }
0x85: {  	_ =	shalt  }
0x86: {  	_ =	shalt  }
0x87: {  	_ =	shalt  }
.Lfunc_end0:
.L_simem_size_0:
called_computation_lowered:
.L_overlay_start_0:
0x88: {  	s2 =	sld [smem:$0x3FD9]  }
0x89: {  	s3 =	sld [smem:$0x3FFE];
	_ =	sdelay $0x1  }
0x8a: {  	s1 =	srdreg.scid  }
0x8b: {  	s0 =	sand.u32 $0x1, s1  }
0x8c: {  	s17 =	sshll.u32 s0, $0xA;
	s2 =	sadd.s32 s3, s2  }
0x8d: {  	s2 =	sadd.s32 s2, s17  }
0x8e: {  	[smem:$0x3FC0] =	sst s2  }
0x8f: {  	_ = 	snop  }
0x90: {  	s2 =	sld [smem:$0x3FD0];
	(tm) =	ssettm $0x1  }
0x91: {  	s18 =	sld [smem:$0x3FFB];
	_ =	sdelay $0x3  }
0x92: {  	_ =	strace s18  }
0x93: {  	s3 =	sld [smem:$0x3FFC];
	_ =	sdelay $0x3  }
0x94: {  	_ =	strace s3  }
0x95: {  	s3 =	sld [smem:$0x3FFD];
	_ =	sdelay $0x3  }
0x96: {  	_ =	strace s3  }
0x97: {  	_ =	strace $0x8FFFFFFF  }
0x98: {  	s19 =	sld [smem:$0x3FDB];
	_ =	sdelay $0x1  }
0x99: {  	s4 =	simm.s32 $_scs_section_size  }
0x9a: {  	s5 =	simm.s32 $_size__tile_overlayer_lowered;
	s6 =	simm.s32 $_tile_overlayer_lowered  }
0x9b: {  	s22 =	simm.s32 $0x1BFF;
	s21 =	sshll.u32 s6, $0x1;
	s3 =	sadd.s32 s4, s19  }
0x9c: {  	s7 =	simm.s32 $0x0;
	s20 =	sshll.u32 s5, $0x1;
	s5 =	sadd.s32 s21, s3  }
0x9d: {  	[timem:s7], [sflag:s22] =	dma.local [hbm:s5], s20  }
0x9e: {  	_ =	swait.ge [sflag:s22], s20  }
0x9f: {  	s4 =	ssub.s32 $0x0, s20;
	[sflag:s22] =	ssyncset.done $0x0  }
0xa0: {  	[sflag:s22] =	ssyncadd.s32 s4;
	_ =	sdelay $0x1  }
0xa1: {  	s23 =	simm.s32 $0x1B8B  }
0xa2: {  	_ =	swait.ge [sflag:s23], $0x1  }
0xa3: {  	[sflag:s23] =	ssyncset.done $0x0  }
0xa4: {  	s25 =	simm.s32 $0x1B8E;
	s24 =	sld [smem:$0x3FFE];
	[sflag:s23] =	ssyncadd.s32 $0xFFFFFFFF  }
0xa5: {  	s26 =	simm.s32 $execute0_lowered;
	[smem:$0x3FD2] =	sst s25  }
0xa6: {  	s5 =	sshll.u32 s26, $0x1;
	_ =	strace $0x80000046;
	[dreg:$0x1] =	wrdreg $0xFFFFFFFF  }
0xa7: {  	s28 =	simm.s32 $_size_execute0_lowered;
	s3 =	sadd.s32 s3, s5;
	[dreg:$0x0] =	wrdreg $0x0  }
0xa8: {  	s5 =	sshll.u32 s28, $0x1;
	[dreg:$0x2] =	wrdreg s3  }
0xa9: {  	[dreg:$0x3] =	wrdreg s5  }
0xaa: {  	[dreg:$0x4] =	wrdreg $0xC0  }
0xab: {  	_ =	task [dreg:s7], $0x5FFFF  }
0xac: {  	[dreg:$0x1] =	wrdreg $0xFFFFFFFF  }
0xad: {  	[dreg:$0x0] =	wrdreg $0x60  }
0xae: {  	[dreg:$0x2] =	wrdreg s2  }
0xaf: {  	[dreg:$0x3] =	wrdreg s24  }
0xb0: {  	[dreg:$0x4] =	wrdreg $0x0  }
0xb1: {  	[dreg:$0x5] =	wrdreg $0x138800  }
0xb2: {  	[dreg:$0x6] =	wrdreg $0x9  }
0xb3: {  	_ =	task.clear_ibuf [dreg:s7], $0x7FFFF;
	_ =	strace $0x90000046  }
0xb4: {  	s29 =	simm.s32 $0x9;
	_ =	strace $0x80000048  }
0xb5: {  	_ =	swait.ge [sflag:s29], $0x1  }
0xb6: {  	[sflag:s29] =	ssyncadd.s32 $0xFFFFFFFF  }
0xb7: {  	_ =	strace $0x90000048  }
0xb8: {  	_ =	sfence  }
0xb9: {  	s30 =	sld [smem:$0x0];
	_ =	sdelay $0x2  }
0xba: {  	s31 =	sshll.u32 s1, $0xD;
	s1 =	sshrl.u32 s1, $0x2  }
0xbb: {  	s3 =	sand.u32 $0x4000, s31;
	s1 =	sadd.s32 s1, s30  }
0xbc: {  	s0 =	sor.u32 s3, s0;
	s1 =	sshll.u32 s1, $0x11  }
0xbd: {  	s0 =	sor.u32 s1, s0  }
0xbe: {  	s0 =	sadd.s32 $0x8F2B, s0  }
0xbf: {  	[sflag:s0] =	ssyncadd.remote.s32 $0x1  }
0xc0: {  	_ =	sfence.sel $0xFFFF  }
0xc1: {  	[dreg:$0x0] =	wrdreg $0xFFFFFFFF;
	(pc) =	sbr.abs _section_cstart, $3  }
0xc2: {  	[dreg:$0x1] =	wrdreg $0xFFFFFFFF  }
0xc3: {  	_ =	task.clear_ibuf [dreg:s7], $0x2FFFF;
	_ =	strace $0x9FFFFFFF  }
0xc4: {  	(tm) =	ssettm $0x7FFFFFFF  }
0xc5: {  	_ =	shalt  }
tec
execute0_lowered:
.L_overlay_start_1:
0x0: {  	(tag) =	ssettag $0x1  }
0x1: {  	s1 =	rddreg [dreg:$0x0]  }
0x2: {  	s0 =	rddreg [dreg:$0x1]  }
0x3: {  	s2 =	rddreg [dreg:$0x2]  }
0x4: {  	s3 =	rddreg [dreg:$0x3];
	s19 =	simm.s32 $0x0;
	s4 =	stileid.u32  }
0x5: {  	s9 =	srdreg.scid;
	s28 =	simm.s32 $0x50;
	s29 =	simm.s32 $0x19730  }
0x6: {  	s30 =	simm.s32 $0x19C30;
	s31 =	simm.s32 $0x16F30;
	[smem:$0x7FF] =	sst s19  }
0x7: {  	s5 =	sadd.s32 $0x6000, s0;
	s6 =	sadd.s32 $0x1000, s0;
	s7 =	smul.u32 $0x13800, s4  }
0x8: {  	s8 =	sadd.s32 $0x14E00, s0;
	s23 =	smul.u32 $0x2700, s4;
	s10 =	sadd.s32 $0xB000, s0  }
0x9: {  	s9 =	sand.u32 $0x1, s9;
	s13 =	sadd.s32 $0x54C00, s0;
	s15 =	sadd.s32 $0x4AE00, s0  }
0xa: {  	s16 =	sshll.u32 s4, $0x6;
	_ =	strace $0x80000047;
	[dreg:$0x6] =	wrdreg s8  }
0xb: {  	s21 =	sadd.s32 $0x27000, s3;
	p0 =	sne.s32 s4, $0x0;
	[dreg:$0x7] =	wrdreg s10  }
0xc: {  	s12 =	ssub.s32 $0x2, s9;
	s25 =	sshll.u32 s9, $0x4;
	s17 =	smul.u32 $0x138800, s9  }
0xd: {  	s9 =	smul.u32 $0x27100, s9;
	[dreg:$0x10] =	wrdreg s21;
	s21 =	simm.s32 $0x6  }
0xe: {  	s24 =	sshrl.u32 s7, $0x3;
	s11 =	sshrl.u32 s23, $0x3;
	s14 =	sshrl.u32 s12, $0x1  }
0xf: {  	s18 =	sadd.s32 s7, s2;
	s26 =	sadd.s32 s23, s3;
	s10 =	sadd.s32 s24, s0  }
0x10: {  	s11 =	sadd.s32 s11, s0;
	s12 =	ssub.s32 s12, s14;
	[dreg:$0x8] =	wrdreg s18  }
0x11: {  	s14 =	sor.u32 s4, s25;
	[dreg:$0xb] =	wrdreg s26;
	s7 =	sadd.s32 s7, s17  }
0x12: {  	s18 =	sadd.s32 $0x45C00, s0;
	s20 =	sshrl.u32 s17, $0x3;
	s8 =	sadd.s32 s23, s9  }
0x13: {  	s0 =	sadd.s32 $0x4AC00, s0;
	s23 =	sshrl.u32 s9, $0x3;
	s9 =	simm.s32 $0x1CE30  }
0x14: {  	s17 =	simm.s32 $0x1A130;
	s4 =	simm.s32 $0x8;
	s10 =	sadd.s32 $0x1EC00, s10  }
0x15: {  	s11 =	sadd.s32 $0x45E00, s11;
	s7 =	sshrl.u32 s7, $0x3;
	[dreg:$0xe] =	wrdreg s18  }
0x16: {  	[dreg:$0x11] =	wrdreg s0;
	s22 =	sshrl.u32 s8, $0x3;
	s24 =	smul.u32 $0x7D, s14  }
0x17: {  	s25 =	sadd.s32 s15, s23;
	s26 =	smax.u32 s12, $0x1;
	s12 =	simm.s32 $0x1D330  }
0x18: {  	s14 =	simm.s32 $0x1;
	s18 =	simm.s32 $0x4;
	[dreg:$0x9] =	wrdreg s10  }
0x19: {  	s23 =	simm.s32 $0x7;
	s10 =	sor.u32 $0x1C09, s16;
	[dreg:$0xc] =	wrdreg s11  }
0x1a: {  	s16 =	sadd.s32 $0x138000, s2;
	s7 =	sadd.s32 s13, s7;
	[dreg:$0x16] =	wrdreg s26  }
0x1b: {  	s0 =	sadd.s32 s15, s22;
	s15 =	simm.s32 $0x2;
	[dreg:$0xd] =	wrdreg s16  }
0x1c: {  	s22 =	simm.s32 $0x1D830;
	s11 =	simm.s32 $0x16EE0;
	[dreg:$0xf] =	wrdreg s7  }
.Ltmp0:
0x1d: {  	s7 =	sadd.s32 s13, s20;
	[dreg:$0x12] =	wrdreg s24;
	(pc) =	sbr.rel .LBB2_1-.Ltmp0, $4  }
0x1e: {  	[dreg:$0x13] =	wrdreg s0;
	s0 =	sadd.s32 $0x4E00, s25;
	s24 =	simm.s32 $0x9  }
0x1f: {  	s25 =	simm.s32 $0x15F90;
	s13 =	simm.s32 $0x1A630;
	[dreg:$0xa] =	wrdreg s10  }
0x20: {  	s16 =	simm.s32 $0x3;
	s7 =	sadd.s32 $0x27000, s7;
	[dreg:$0x15] =	wrdreg s0  }
0x21: {  	s20 =	simm.s32 $0x5;
	s0 =	simm.s32 $0x15FE0;
	[dreg:$0x14] =	wrdreg s7  }
.LBB2_6:
0x22: {  	[bflag:$0x0] =	sbarrier.arrive $0xFFFF  }
0x23: {  	s10 =	rddreg [dreg:$0xa]  }
0x24: {  	s7 =	rddreg [dreg:$0xf]  }
0x25: {  	s8 =	rddreg [dreg:$0x17]  }
0x26: {  	[hbm:s7], [sflag:s10] =	dma.local [spmem:s8], $0x2700  }
0x27: {  	_ =	swait.ge [sflag:s24], $0x2700  }
0x28: {  	[sflag:s24] =	ssyncset.done $0x0;
	s19 =	rddreg [dreg:$0x13]  }
0x29: {  	s26 =	rddreg [dreg:$0x18];
	[sflag:s24] =	ssyncadd.s32 $0xFFFFD900  }
0x2a: {  	[hbm:s19], [sflag:s10] =	dma.local [spmem:s26], $0x4E0  }
0x2b: {  	_ =	swait.ge [sflag:s24], $0x4E0  }
0x2c: {  	[sflag:s24] =	ssyncset.done $0x0;
	s7 =	rddreg [dreg:$0x14]  }
0x2d: {  	s8 =	rddreg [dreg:$0x19];
	[sflag:s24] =	ssyncadd.s32 $0xFFFFFB20  }
0x2e: {  	[hbm:s7], [sflag:s10] =	dma.local @!p0 [spmem:s8], $0x100  }
0x2f: {  	s7 =	simm.s32 @!p0 $0x9  }
0x30: {  	_ =	swait.ge @!p0 [sflag:s7], $0x100  }
0x31: {  	[sflag:s7] =	ssyncset.done @!p0 $0x0;
	s8 =	rddreg [dreg:$0x15]  }
0x32: {  	s19 =	rddreg [dreg:$0x1a];
	[sflag:s7] =	ssyncadd.s32 @!p0 $0xFFFFFF00  }
0x33: {  	[hbm:s8], [sflag:s10] =	dma.local @!p0 [spmem:s19], $0x20  }
0x34: {  	_ =	swait.ge @!p0 [sflag:s7], $0x20  }
0x35: {  	s8 =	rddreg [dreg:$0x5]  }
0x36: {  	s26 =	rddreg [dreg:$0x16];
	s19 =	sadd.s32 $0x1, s8  }
0x37: {  	p1 =	sne.s32 s19, s26  }
.Ltmp1:
0x38: {  	_ = 	snop;
	(pc) =	sbr.rel @!p1 .LBB2_7-.Ltmp1, $3  }
0x39: {  	_ =	sdelay $0x1  }
0x3a: {  	[sflag:s7] =	ssyncset.done @!p0 $0x0  }
0x3b: {  	[sflag:s7] =	ssyncadd.s32 @!p0 $0xFFFFFFE0  }
.LBB2_1:
0x3c: {  	[dreg:$0x5] =	wrdreg s19  }
0x3d: {  	s7 =	rddreg [dreg:$0x8]  }
0x3e: {  	s26 =	rddreg [dreg:$0x9];
	s8 =	sshrl.u32 s7, $0x3  }
0x3f: {  	[dreg:$0x17] =	wrdreg s8  }
0x40: {  	[spmem:s8], [sflag:s10] =	dma.local [hbm:s26], $0x2700  }
0x41: {  	_ =	swait.ge [sflag:s24], $0x2700  }
0x42: {  	s8 =	rddreg [dreg:$0xb]  }
0x43: {  	[sflag:s24] =	ssyncset.done $0x0;
	s26 =	rddreg [dreg:$0xc];
	s19 =	sshrl.u32 s8, $0x3  }
0x44: {  	[sflag:s24] =	ssyncadd.s32 $0xFFFFD900;
	[dreg:$0x18] =	wrdreg s19  }
0x45: {  	[spmem:s19], [sflag:s10] =	dma.local [hbm:s26], $0x4E0  }
0x46: {  	_ =	swait.ge [sflag:s24], $0x4E0  }
0x47: {  	s7 =	rddreg [dreg:$0xd]  }
0x48: {  	[sflag:s24] =	ssyncset.done $0x0;
	s8 =	sshrl.u32 @!p0 s7, $0x3;
	s7 =	rddreg [dreg:$0xe]  }
0x49: {  	[sflag:s24] =	ssyncadd.s32 $0xFFFFFB20;
	[dreg:$0x19] =	wrdreg s8  }
0x4a: {  	[spmem:s8], [sflag:s10] =	dma.local @!p0 [hbm:s7], $0x100  }
0x4b: {  	s7 =	simm.s32 @!p0 $0x9  }
0x4c: {  	_ =	swait.ge @!p0 [sflag:s7], $0x100  }
0x4d: {  	s8 =	rddreg [dreg:$0x10]  }
0x4e: {  	[sflag:s7] =	ssyncset.done @!p0 $0x0;
	s19 =	sshrl.u32 @!p0 s8, $0x3;
	s8 =	rddreg [dreg:$0x11]  }
0x4f: {  	[sflag:s7] =	ssyncadd.s32 @!p0 $0xFFFFFF00;
	[dreg:$0x1a] =	wrdreg s19  }
0x50: {  	[spmem:s19], [sflag:s10] =	dma.local @!p0 [hbm:s8], $0x20  }
.Ltmp2:
0x51: {  	_ =	swait.ge @!p0 [sflag:s7], $0x20;
	(pc) =	sbr.rel .LBB2_2-.Ltmp2, $4  }
0x52: {  	[sflag:s7] =	ssyncset.done @!p0 $0x0  }
0x53: {  	[sflag:s7] =	ssyncadd.s32 @!p0 $0xFFFFFFE0  }
0x54: {  	[bflag:$0x0] =	sbarrier.arrive $0xFFFF  }
0x55: {  	s10 =	simm.s32 $0x0  }
.LBB2_5:
0x56: {  	_ =	swait.ge [sflag:s14], $0x500  }
0x57: {  	[sflag:s14] =	ssyncset.done $0x0  }
0x58: {  	[sflag:s14] =	ssyncadd.s32 $0xFFFFFB00  }
0x59: {  	_ =	swait.ge [sflag:s15], $0x500  }
0x5a: {  	[sflag:s15] =	ssyncset.done $0x0  }
0x5b: {  	[sflag:s15] =	ssyncadd.s32 $0xFFFFFB00  }
0x5c: {  	_ =	swait.ge [sflag:s16], $0x2800  }
0x5d: {  	[sflag:s16] =	ssyncset.done $0x0  }
0x5e: {  	[sflag:s16] =	ssyncadd.s32 $0xFFFFD800  }
0x5f: {  	v0 =	vld [tilespmem:$0x19730]  }
0x60: {  	v1 =	vld [tilespmem:$0x19C30];
	_ =	sdelay $0x4  }
0x61: {  	v0 =	vadd.f32 v1, v0;
	_ =	sdelay $0x1  }
0x62: {  	v1 =	vmul.f32 $2.000000030e-01, v0;
	_ =	sdelay $0x1  }
0x63: {  	v0 =	vmax.f32 v0, v1  }
0x64: {  	v0 =	vmul.f32 $1.442695020e+00, v0;
	_ =	sdelay $0x1  }
0x65: {  	(erf) = vpow2.f32 v0;
	_ =	sdelay $0x6  }
0x66: {  	v53 =	vld [tilespmem:$0x16F30]  }
0x67: {  	v54 =	vld [tilespmem:$0x16F40]  }
0x68: {  	v3 =	vld [tilespmem:$0x16F50];
	v2 =	vpop (erf)  }
0x69: {  	v5 =	vld [tilespmem:$0x16F60];
	v4 =	vbroadcast v2, $0x0  }
0x6a: {  	v7 =	vld [tilespmem:$0x16F70]  }
0x6b: {  	v55 =	vld [tilespmem:$0x16F80];
	v6 =	vbroadcast v2, $0x1;
	v0 =	vmul.f32 v4, v53  }
0x6c: {  	v57 =	vld [tilespmem:$0x16F90];
	[tilespmem:$0x1A130] =	vst v2;
	v1 =	vmul.f32 v4, v54  }
0x6d: {  	v8 =	vld [tilespmem:$0x16FA0];
	v58 =	vbroadcast v2, $0x2;
	v56 =	vmul.f32 v6, v3;
	[tilespmem:$0x16F30] =	vst v0  }
0x6e: {  	v59 =	vmul.f32 v5, v6;
	[tilespmem:$0x16F40] =	vst v1  }
0x6f: {  	v2 =	vbroadcast v2, $0x3;
	v60 =	vmul.f32 v7, v58;
	[tilespmem:$0x16F50] =	vst v56  }
0x70: {  	v61 =	vmul.f32 v55, v58;
	[tilespmem:$0x16F60] =	vst v59  }
0x71: {  	v62 =	vmul.f32 v57, v2;
	[tilespmem:$0x16F70] =	vst v60  }
0x72: {  	v63 =	vmul.f32 v8, v2;
	[tilespmem:$0x16F80] =	vst v61  }
0x73: {  	[tilespmem:$0x16F90] =	vst v62  }
0x74: {  	[tilespmem:$0x16FA0] =	vst v63  }
0x75: {  	[spmem:s3] =	stream.indirect.scatter.add.f32 [tilespmem:s17], [sflag:$0x7], $0x10, s11, s28, $0xb8;
	[tilespmem:$0x1DD30] =	vst v63  }
0x76: {  	s10 =	sadd.s32 $0x1, s10  }
0x77: {  	[spmem:s2] =	stream.indirect.scatter.add.f32 [tilespmem:s31], [sflag:$0x7], $0x80, s11, s28, $0xb8;
	[tilespmem:$0x1DD30] =	vst v63  }
0x78: {  	p1 =	sne.s32 s10, $0x5;
	_ =	swait.ge [sflag:s23], $0x500  }
.Ltmp3:
0x79: {  	[sflag:s23] =	ssyncset.done $0x0;
	(pc) =	sbr.rel @!p1 .LBB2_6-.Ltmp3, $4  }
0x7a: {  	[sflag:s23] =	ssyncadd.s32 $0xFFFFFB00  }
0x7b: {  	_ =	swait.ge [sflag:s23], $0x2800  }
0x7c: {  	[sflag:s23] =	ssyncset.done $0x0  }
0x7d: {  	[sflag:s23] =	ssyncadd.s32 $0xFFFFD800  }
.LBB2_2:
0x7e: {  	s7 =	smul.u32 $0x19, s10  }
0x7f: {  	s8 =	rddreg [dreg:$0x12]  }
0x80: {  	s7 =	sadd.s32 s8, s7  }
0x81: {  	s8 =	smul.u32 $0xA, s7  }
0x82: {  	s19 =	rddreg [dreg:$0x6]  }
0x83: {  	s7 =	simm.s32 $0x0;
	s19 =	sadd.s32 s19, s8  }
0x84: {  	[tilespmem:s25], [sflag:$0x9] =	stream.linear.gather [hbm4b:s19+s7], $0x7D0, $0x38;
	[tilespmem:$0x1DD30] =	vst v63  }
0x85: {  	_ =	swait.ge [sflag:s24], $0x7D0  }
0x86: {  	[sflag:s24] =	ssyncset.done $0x0;
	s26 =	rddreg [dreg:$0x7]  }
0x87: {  	[sflag:s24] =	ssyncadd.s32 $0xFFFFF830;
	s8 =	sadd.s32 s26, s8;
	s26 =	simm.s32 $0x16760  }
0x88: {  	[tilespmem:s26], [sflag:$0x9] =	stream.linear.gather [hbm4b:s8+s7], $0x7D0, $0x38;
	[tilespmem:$0x1DD30] =	vst v63  }
0x89: {  	_ =	swait.ge [sflag:s24], $0x7D0  }
0x8a: {  	[sflag:s24] =	ssyncset.done $0x0  }
0x8b: {  	[sflag:s24] =	ssyncadd.s32 $0xFFFFF830  }
0x8c: {  	[tilespmem:s29], [sflag:$0x1] =	stream.indirect.gather [hbm4b:s5+s28], $0x10, s25, s28, $0xb8;
	[tilespmem:$0x1DD30] =	vst v63  }
0x8d: {  	_ = 	snop  }
0x8e: {  	[tilespmem:s30], [sflag:$0x2] =	stream.indirect.gather [hbm4b:s6+s28], $0x10, s26, s28, $0xb8;
	[tilespmem:$0x1DD30] =	vst v63  }
0x8f: {  	_ = 	snop  }
0x90: {  	[tilespmem:s31], [sflag:$0x3] =	stream.indirect.gather [hbm4b:s1+s28], $0x80, s25, s28, $0xb8;
	[tilespmem:$0x1DD30] =	vst v63  }
0x91: {  	_ = 	snop  }
0x92: {  	[tilespmem:s9], [sflag:$0x4] =	stream.indirect.gather [hbm4b:s5+s28], $0x10, s0, s28, $0xb8;
	[tilespmem:$0x1DD30] =	vst v63  }
0x93: {  	s26 =	simm.s32 $0x167B0  }
0x94: {  	[tilespmem:s12], [sflag:$0x5] =	stream.indirect.gather [hbm4b:s6+s28], $0x10, s26, s28, $0xb8;
	[tilespmem:$0x1DD30] =	vst v63  }
0x95: {  	_ = 	snop  }
0x96: {  	[tilespmem:s13], [sflag:$0x6] =	stream.indirect.gather [hbm4b:s1+s28], $0x80, s0, s28, $0xb8;
	[tilespmem:$0x1DD30] =	vst v63  }
.LBB2_3:
0x97: {  	_ =	swait.ge [sflag:s14], $0x500  }
0x98: {  	[sflag:s14] =	ssyncset.done $0x0  }
0x99: {  	[sflag:s14] =	ssyncadd.s32 $0xFFFFFB00  }
0x9a: {  	_ =	swait.ge [sflag:s15], $0x500  }
0x9b: {  	[sflag:s15] =	ssyncset.done $0x0  }
0x9c: {  	[sflag:s15] =	ssyncadd.s32 $0xFFFFFB00  }
0x9d: {  	_ =	swait.ge [sflag:s16], $0x2800  }
0x9e: {  	[sflag:s16] =	ssyncset.done $0x0  }
0x9f: {  	[sflag:s16] =	ssyncadd.s32 $0xFFFFD800  }
0xa0: {  	v0 =	vld [tilespmem:$0x19730]  }
0xa1: {  	v1 =	vld [tilespmem:$0x19C30];
	_ =	sdelay $0x4  }
0xa2: {  	v0 =	vadd.f32 v1, v0;
	_ =	sdelay $0x1  }
0xa3: {  	v1 =	vmul.f32 $2.000000030e-01, v0;
	_ =	sdelay $0x1  }
0xa4: {  	v0 =	vmax.f32 v0, v1  }
0xa5: {  	v0 =	vmul.f32 $1.442695020e+00, v0;
	_ =	sdelay $0x1  }
0xa6: {  	(erf) = vpow2.f32 v0;
	_ =	sdelay $0x6  }
0xa7: {  	v35 =	vld [tilespmem:$0x16F30]  }
0xa8: {  	v36 =	vld [tilespmem:$0x16F40]  }
0xa9: {  	v4 =	vld [tilespmem:$0x16F50];
	v2 =	vpop (erf)  }
0xaa: {  	v5 =	vld [tilespmem:$0x16F60];
	v3 =	vbroadcast v2, $0x0  }
0xab: {  	v6 =	vld [tilespmem:$0x16F70]  }
0xac: {  	v7 =	vld [tilespmem:$0x16F80];
	v37 =	vbroadcast v2, $0x1;
	v0 =	vmul.f32 v3, v35  }
0xad: {  	v8 =	vld [tilespmem:$0x16FA0];
	[tilespmem:$0x1A130] =	vst v2;
	v1 =	vmul.f32 v3, v36  }
0xae: {  	v38 =	vld [tilespmem:$0x16F90];
	v40 =	vbroadcast v2, $0x2;
	v39 =	vmul.f32 v37, v4;
	[tilespmem:$0x16F30] =	vst v0  }
0xaf: {  	v3 =	vmul.f32 v5, v37;
	[tilespmem:$0x16F40] =	vst v1  }
0xb0: {  	v2 =	vbroadcast v2, $0x3;
	v41 =	vmul.f32 v6, v40;
	[tilespmem:$0x16F50] =	vst v39  }
0xb1: {  	v42 =	vmul.f32 v7, v40;
	[tilespmem:$0x16F60] =	vst v3  }
0xb2: {  	v43 =	vmul.f32 v8, v2;
	[tilespmem:$0x16F70] =	vst v41  }
0xb3: {  	v0 =	vmul.f32 v38, v2;
	[tilespmem:$0x16F80] =	vst v42  }
0xb4: {  	s8 =	sshra.s32 s7, $0x2;
	[tilespmem:$0x16FA0] =	vst v43  }
0xb5: {  	s19 =	sadd.s32 $0x16760, s8;
	[tilespmem:$0x16F90] =	vst v0  }
0xb6: {  	[spmem:s3] =	stream.indirect.scatter.add.f32 [tilespmem:s17], [sflag:$0x7], $0x10, s19, s28, $0xb8;
	[tilespmem:$0x1DD30] =	vst v63  }
0xb7: {  	_ = 	snop  }
0xb8: {  	[spmem:s2] =	stream.indirect.scatter.add.f32 [tilespmem:s31], [sflag:$0x7], $0x80, s19, s28, $0xb8;
	[tilespmem:$0x1DD30] =	vst v63  }
0xb9: {  	_ =	swait.ge [sflag:s18], $0x500  }
0xba: {  	[sflag:s18] =	ssyncset.done $0x0  }
0xbb: {  	[sflag:s18] =	ssyncadd.s32 $0xFFFFFB00  }
0xbc: {  	_ =	swait.ge [sflag:s20], $0x500  }
0xbd: {  	[sflag:s20] =	ssyncset.done $0x0  }
0xbe: {  	[sflag:s20] =	ssyncadd.s32 $0xFFFFFB00  }
0xbf: {  	_ =	swait.ge [sflag:s21], $0x2800  }
0xc0: {  	[sflag:s21] =	ssyncset.done $0x0  }
0xc1: {  	[sflag:s21] =	ssyncadd.s32 $0xFFFFD800  }
0xc2: {  	v44 =	vld [tilespmem:$0x1CE30]  }
0xc3: {  	v45 =	vld [tilespmem:$0x1D330];
	_ =	sdelay $0x4  }
0xc4: {  	v0 =	vadd.f32 v45, v44;
	_ =	sdelay $0x1  }
0xc5: {  	v1 =	vmul.f32 $2.000000030e-01, v0;
	_ =	sdelay $0x1  }
0xc6: {  	v0 =	vmax.f32 v0, v1  }
0xc7: {  	v0 =	vmul.f32 $1.442695020e+00, v0;
	_ =	sdelay $0x1  }
0xc8: {  	(erf) = vpow2.f32 v0;
	_ =	sdelay $0x6  }
0xc9: {  	v46 =	vld [tilespmem:$0x1A630]  }
0xca: {  	v47 =	vld [tilespmem:$0x1A640]  }
0xcb: {  	v49 =	vld [tilespmem:$0x1A650];
	v48 =	vpop (erf)  }
0xcc: {  	v51 =	vld [tilespmem:$0x1A660];
	v50 =	vbroadcast v48, $0x0  }
0xcd: {  	v53 =	vld [tilespmem:$0x1A670]  }
0xce: {  	v54 =	vld [tilespmem:$0x1A680];
	v52 =	vbroadcast v48, $0x1;
	v0 =	vmul.f32 v50, v46  }
0xcf: {  	v56 =	vld [tilespmem:$0x1A690];
	[tilespmem:$0x1D830] =	vst v48;
	v1 =	vmul.f32 v50, v47  }
0xd0: {  	v58 =	vld [tilespmem:$0x1A6A0];
	v57 =	vbroadcast v48, $0x2;
	v55 =	vmul.f32 v52, v49;
	[tilespmem:$0x1A630] =	vst v0  }
0xd1: {  	v59 =	vmul.f32 v51, v52;
	[tilespmem:$0x1A640] =	vst v1  }
0xd2: {  	v2 =	vbroadcast v48, $0x3;
	v60 =	vmul.f32 v53, v57;
	[tilespmem:$0x1A650] =	vst v55  }
0xd3: {  	v61 =	vmul.f32 v54, v57;
	[tilespmem:$0x1A660] =	vst v59  }
0xd4: {  	v62 =	vmul.f32 v56, v2;
	[tilespmem:$0x1A670] =	vst v60  }
0xd5: {  	v63 =	vmul.f32 v58, v2;
	[tilespmem:$0x1A680] =	vst v61  }
0xd6: {  	[tilespmem:$0x1A690] =	vst v62  }
0xd7: {  	s26 =	sadd.s32 $0x167B0, s8;
	[tilespmem:$0x1A6A0] =	vst v63  }
0xd8: {  	[spmem:s3] =	stream.indirect.scatter.add.f32 [tilespmem:s22], [sflag:$0x8], $0x10, s26, s28, $0xb8;
	[tilespmem:$0x1DD30] =	vst v63  }
0xd9: {  	_ = 	snop  }
0xda: {  	[spmem:s2] =	stream.indirect.scatter.add.f32 [tilespmem:s13], [sflag:$0x8], $0x80, s26, s28, $0xb8;
	[tilespmem:$0x1DD30] =	vst v63  }
0xdb: {  	_ =	swait.ge [sflag:s23], $0x500  }
0xdc: {  	[sflag:s23] =	ssyncset.done $0x0  }
0xdd: {  	[sflag:s23] =	ssyncadd.s32 $0xFFFFFB00  }
0xde: {  	_ =	swait.ge [sflag:s23], $0x2800  }
0xdf: {  	[sflag:s23] =	ssyncset.done $0x0  }
0xe0: {  	s19 =	sadd.s32 $0x16030, s8;
	[sflag:s23] =	ssyncadd.s32 $0xFFFFD800  }
0xe1: {  	[tilespmem:s29], [sflag:$0x1] =	stream.indirect.gather [hbm4b:s5+s28], $0x10, s19, s28, $0xb8;
	[tilespmem:$0x1DD30] =	vst v63  }
0xe2: {  	s26 =	sadd.s32 $0x16800, s8  }
0xe3: {  	[tilespmem:s30], [sflag:$0x2] =	stream.indirect.gather [hbm4b:s6+s28], $0x10, s26, s28, $0xb8;
	[tilespmem:$0x1DD30] =	vst v63  }
0xe4: {  	_ = 	snop  }
0xe5: {  	[tilespmem:s31], [sflag:$0x3] =	stream.indirect.gather [hbm4b:s1+s28], $0x80, s19, s28, $0xb8;
	[tilespmem:$0x1DD30] =	vst v63  }
0xe6: {  	p1 =	seq.s32 s7, $0x1B80;
	_ =	swait.ge [sflag:s4], $0x500  }
.Ltmp4:
0xe7: {  	[sflag:s4] =	ssyncset.done $0x0;
	(pc) =	sbr.rel @p1 .LBB2_5-.Ltmp4, $4  }
0xe8: {  	[sflag:s4] =	ssyncadd.s32 $0xFFFFFB00  }
0xe9: {  	_ =	swait.ge [sflag:s4], $0x2800  }
0xea: {  	[sflag:s4] =	ssyncset.done $0x0  }
0xeb: {  	[sflag:s4] =	ssyncadd.s32 $0xFFFFD800  }
0xec: {  	s19 =	sadd.s32 $0x16080, s8  }
0xed: {  	[tilespmem:s9], [sflag:$0x4] =	stream.indirect.gather [hbm4b:s5+s28], $0x10, s19, s28, $0xb8;
	[tilespmem:$0x1DD30] =	vst v63  }
.Ltmp5:
0xee: {  	_ = 	snop;
	(pc) =	sbr.rel .LBB2_3-.Ltmp5, $4  }
0xef: {  	s26 =	sadd.s32 $0x16850, s8  }
0xf0: {  	[tilespmem:s12], [sflag:$0x5] =	stream.indirect.gather [hbm4b:s6+s28], $0x10, s26, s28, $0xb8;
	[tilespmem:$0x1DD30] =	vst v63  }
0xf1: {  	s7 =	sadd.s32 $0x280, s7  }
0xf2: {  	[tilespmem:s13], [sflag:$0x6] =	stream.indirect.gather [hbm4b:s1+s28], $0x80, s19, s28, $0xb8;
	[tilespmem:$0x1DD30] =	vst v63  }
.LBB2_7:
0xf3: {  	_ =	sfence.sel $0x180000  }
0xf4: {  	[bflag:$0x0] =	sbarrier.arrive $0xFFFF  }
0xf5: {  	_ =	strace $0x90000047  }
0xf6: {  	[bflag:$0x2] =	sbarrier.arrive $0xFFFF  }
0xf7: {  	s0 =	rddreg [dreg:$0x4]  }
0xf8: {  	s0 =	sadd.s32 @!p0 $0x100000, s0  }
0xf9: {  	[sflag:s0] =	ssyncadd.tile.s32 @!p0 $0x1;
	_ =	shalt  }
.Lfunc_end2:
_tile_overlayer_lowered:
.L_overlay_start_2:
0xfa: {  	(tag) =	ssettag $0x2  }
0xfb: {  	s0 =	rddreg [dreg:$0x0];
	s2 =	stileid.u32  }
0xfc: {  	s1 =	rddreg [dreg:$0x1];
	p0 =	sne.s32 s2, $0x0  }
0xfd: {  	s3 =	rddreg [dreg:$0x2];
	[bflag:$0x3] =	sbarrier.arrive $0xFFFF;
	s2 =	simm.s32 @!p0 $0x1C09  }
0xfe: {  	[timem:s3], [sflag:s2] =	dma.local @!p0 [hbm:s0], s1  }
0xff: {  	s0 =	simm.s32 @!p0 $0x9  }
0x100: {  	_ =	swait.ge @!p0 [sflag:s0], s1  }
0x101: {  	s1 =	ssub.s32 @!p0 $0x0, s1;
	[sflag:s0] =	ssyncset.done @!p0 $0x0  }
0x102: {  	[sflag:s0] =	ssyncadd.s32 @!p0 s1  }
0x103: {  	[bflag:$0x3] =	sbarrier.arrive $0xFFFF  }
0x104: {  	_ =	shalt  }

</sc_bundles>
